<compile_context>
chip_gen: v7x
topology: tpu7x:2x2x1
jax: 0.10.2.dev20260603
libtpu: 0.0.44.dev20260713+nightly
codegen_flags: <defaults>
</compile_context>

<pallas_src>
import functools

import jax
import jax.numpy as jnp
from jax import lax
from jax.experimental import pallas as pl
from jax.experimental.pallas import tpu as pltpu
from jax.experimental.pallas import tpu_sc as plsc

_NC = 2
_NS = 16
_NW = _NC * _NS

_HC = 4
_BL = 128
_CH = _HC * _BL
_OP = _BL + 1


@functools.partial(jax.jit, static_argnums=(2, 3, 4))
def _sc_lookup(table, ids_blk, batch, hist, dim):
    n_chunks = hist // _HC
    mesh = plsc.VectorSubcoreMesh(core_axis_name="c", subcore_axis_name="s")

    @functools.partial(
        pl.kernel,
        mesh=mesh,
        compiler_params=pltpu.CompilerParams(use_tc_tiling_on_sc=False,
                                             needs_layout_passes=False),
        out_type=jax.ShapeDtypeStruct((hist, dim, batch), jnp.float32),
        scratch_types=[
            pltpu.VMEM((_CH,), jnp.int32),
            pltpu.VMEM((_CH,), jnp.int32),
            pltpu.VMEM((_CH, dim), jnp.float32),
            pltpu.VMEM((_CH, dim), jnp.float32),
            pltpu.VMEM((_HC, dim, _OP), jnp.float32),
            pltpu.VMEM((_HC, dim, _OP), jnp.float32),
            pltpu.SemaphoreType.DMA,
            pltpu.SemaphoreType.DMA,
            pltpu.SemaphoreType.DMA,
            pltpu.SemaphoreType.DMA,
            pltpu.SemaphoreType.DMA,
            pltpu.SemaphoreType.DMA,
        ],
    )
    def lookup_kernel(table_hbm, ids_hbm, out_hbm,
                      i0, i1, g0, g1, o0, o1,
                      is0, is1, gs0, gs1, os0, os1):
        wid = lax.axis_index("s") * _NC + lax.axis_index("c")
        idx = (i0, i1)
        g = (g0, g1)
        obuf = (o0, o1)
        isem = (is0, is1)
        gsem = (gs0, gs1)
        osem = (os0, os1)
        iota16 = lax.iota(jnp.int32, 16)

        def idesc(c, s):
            return pltpu.make_async_copy(
                ids_hbm.at[wid, c], idx[s], isem[s])

        def gdesc(s):
            return pltpu.make_async_copy(
                table_hbm.at[idx[s]], g[s], gsem[s])

        def odesc(c, s):
            return pltpu.make_async_copy(
                obuf[s].at[:, :, pl.ds(0, _BL)],
                out_hbm.at[pl.ds(c * _HC, _HC), :, pl.ds(wid * _BL, _BL)],
                osem[s])

        def extract(s):
            gr = g[s]
            ob = obuf[s]

            def go(h, carry):
                hvec = jnp.full((16,), h, jnp.int32)

                def row(bj, carry2):
                    bvec = jnp.full((16,), bj, jnp.int32)
                    r = h * _BL + bj
                    v0 = gr[r, pl.ds(0, 16)]
                    v1 = gr[r, pl.ds(16, 16)]
                    plsc.store_scatter(ob, [hvec, iota16, bvec], v0)
                    plsc.store_scatter(ob, [hvec, iota16 + 16, bvec], v1)
                    return carry2

                lax.fori_loop(0, _BL, row, 0, unroll=8)
                return carry

            lax.fori_loop(0, _HC, go, 0, unroll=False)

        idesc(0, 0).start()
        idesc(0, 0).wait()
        gdesc(0).start()
        idesc(1, 1).start()

        n_pairs = n_chunks // 2

        def pair(p, carry):
            for j in range(2):
                s = j
                c = 2 * p + j
                gdesc(s).wait()
                if j == 0:
                    idesc(c + 1, 1 - s).wait()
                    gdesc(1 - s).start()
                else:
                    @pl.when(p < n_pairs - 1)
                    def _():
                        idesc(c + 1, 1 - s).wait()
                        gdesc(1 - s).start()

                @pl.when(p < n_pairs - 1)
                def _():
                    idesc(c + 2, s).start()

                @pl.when(p > 0)
                def _():
                    odesc(c - 2, s).wait()
                extract(s)
                odesc(c, s).start()
            return carry

        lax.fori_loop(0, n_pairs, pair, 0, unroll=False)

        odesc(n_chunks - 2, 0).wait()
        odesc(n_chunks - 1, 1).wait()

    return lookup_kernel(table, ids_blk)


def kernel(token_ids, emb0):
    v, d = emb0.shape
    b, h = token_ids.shape
    n_chunks = h // _HC
    ids_blk = (token_ids.astype(jnp.int32).T
               .reshape(n_chunks, _HC, _NW, _BL)
               .transpose(2, 0, 1, 3)
               .reshape(_NW, n_chunks, _CH))
    out_t = _sc_lookup(emb0, ids_blk, b, h, d)
    return out_t.transpose(2, 0, 1)

# --- scband reference (transcript-rebuilt; emitter-appended) ---
"""Pipeline reference for scband-hierarchical-embedding-50680614093529 (READ-ONLY COPY).

The authoritative reference and input builder live on the scoring server;
editing this copy changes nothing except your own understanding.
"""

import jax, jax.numpy as jnp
import numpy as np

VOCAB = 1000000
EMBED_DIM = 32
BATCH = 4096
HIST = 200

def setup_inputs(seed: int = 0) -> dict:
    key = jax.random.key(seed)
    k1, k2 = jax.random.split(key)
    token_ids = jax.random.randint(k1, (BATCH, HIST), 0, VOCAB)
    # level-0 embedding table (forward uses level=0 by default)
    emb0 = jax.random.normal(k2, (VOCAB, EMBED_DIM), dtype=jnp.float32)
    return {"token_ids": token_ids, "emb0": emb0}

def reference(token_ids, emb0):
    # Faithful to HierarchicalEmbedding.forward(token_ids, level=0):
    # clamp indices to valid range, then embedding lookup on the level-0 table.
    valid_vocab_size = emb0.shape[0]
    tid = jnp.clip(token_ids, 0, valid_vocab_size - 1)
    return jnp.take(emb0, tid, axis=0)

if __name__ == "__main__":
    import jax
    _d = setup_inputs()
    print(jax.jit(kernel)(*tuple(_d.values())))

</pallas_src>

<mosaic_0001>
#map = affine_map<(d0, d1) -> (0, 0)>
#map1 = affine_map<(d0, d1) -> (0, 0, 0)>
module attributes {stable_mosaic.version = 14 : i64} {
  func.func @lookup_kernel(%arg0: i32, %arg1: i32, %arg2: memref<1000000x32xf32, #tpu.memory_space<hbm>>, %arg3: memref<32x50x512xi32, #tpu.memory_space<hbm>>, %arg4: memref<200x32x4096xf32, #tpu.memory_space<hbm>>, %arg5: memref<512xi32, #tpu.memory_space<vmem>>, %arg6: memref<512xi32, #tpu.memory_space<vmem>>, %arg7: memref<512x32xf32, #tpu.memory_space<vmem>>, %arg8: memref<512x32xf32, #tpu.memory_space<vmem>>, %arg9: memref<4x32x129xf32, #tpu.memory_space<vmem>>, %arg10: memref<4x32x129xf32, #tpu.memory_space<vmem>>, %arg11: memref<!tpu.dma_semaphore, #tpu.memory_space<semaphore_mem>>, %arg12: memref<!tpu.dma_semaphore, #tpu.memory_space<semaphore_mem>>, %arg13: memref<!tpu.dma_semaphore, #tpu.memory_space<semaphore_mem>>, %arg14: memref<!tpu.dma_semaphore, #tpu.memory_space<semaphore_mem>>, %arg15: memref<!tpu.dma_semaphore, #tpu.memory_space<semaphore_mem>>, %arg16: memref<!tpu.dma_semaphore, #tpu.memory_space<semaphore_mem>>) attributes {dimension_semantics = [#tpu.dimension_semantics<core_parallel>, #tpu.dimension_semantics<subcore_parallel>], iteration_bounds = array<i64: 2, 16>, scalar_prefetch = 0 : i64, scratch_operands = 12 : i64, tpu.core_type = #tpu.core_type<sc_vector_subcore>, window_params = [{transform_indices = #map}, {transform_indices = #map1}, {transform_indices = #map1}]} {
    %mul3A = arith.constant 2 : i32
    %mul3A_0 = arith.muli %arg1, %mul3A : i32
    %add3A = arith.addi %mul3A_0, %arg0 : i32
    %iota3A = tpu.iota {dimensions = array<i32: 0>} : vector<16xi32>
    %dma_start3A = arith.constant 0 : i32
    %dma_start3A_1 = arith.constant 0 : i32
    %dma_start3A_2 = tpu.memref_slice %arg3[%add3A, %dma_start3A, %dma_start3A_1] : memref<32x50x512xi32, #tpu.memory_space<hbm>> -> memref<1x1x512xi32, #tpu.memory_space<hbm>>
    %dma_start3A_3 = tpu.memref_squeeze %dma_start3A_2 : memref<1x1x512xi32, #tpu.memory_space<hbm>> -> memref<512xi32, #tpu.memory_space<hbm>>
    %dma_start3A_4 = arith.constant 0 : i32
    %dma_start3A_5 = tpu.memref_slice %arg3[%add3A, %dma_start3A, %dma_start3A_4] : memref<32x50x512xi32, #tpu.memory_space<hbm>> -> memref<1x1x512xi32, #tpu.memory_space<hbm>>
    %dma_start3A_6 = tpu.memref_squeeze %dma_start3A_5 : memref<1x1x512xi32, #tpu.memory_space<hbm>> -> memref<512xi32, #tpu.memory_space<hbm>>
    tpu.enqueue_dma source(%dma_start3A_6 : memref<512xi32, #tpu.memory_space<hbm>>) target(%arg5 : memref<512xi32, #tpu.memory_space<vmem>>) target_semaphore(%arg11 : memref<!tpu.dma_semaphore, #tpu.memory_space<semaphore_mem>>)
    %dma_wait3A = arith.constant 0 : i32
    %dma_wait3A_7 = arith.constant 0 : i32
    %dma_wait3A_8 = tpu.memref_slice %arg3[%add3A, %dma_wait3A, %dma_wait3A_7] : memref<32x50x512xi32, #tpu.memory_space<hbm>> -> memref<1x1x512xi32, #tpu.memory_space<hbm>>
    %dma_wait3A_9 = tpu.memref_squeeze %dma_wait3A_8 : memref<1x1x512xi32, #tpu.memory_space<hbm>> -> memref<512xi32, #tpu.memory_space<hbm>>
    %dma_wait3A_10 = arith.constant 0 : i32
    %dma_wait3A_11 = tpu.memref_slice %arg3[%add3A, %dma_wait3A, %dma_wait3A_10] : memref<32x50x512xi32, #tpu.memory_space<hbm>> -> memref<1x1x512xi32, #tpu.memory_space<hbm>>
    %dma_wait3A_12 = tpu.memref_squeeze %dma_wait3A_11 : memref<1x1x512xi32, #tpu.memory_space<hbm>> -> memref<512xi32, #tpu.memory_space<hbm>>
    tpu.wait_dma2 semaphore(%arg11 : memref<!tpu.dma_semaphore, #tpu.memory_space<semaphore_mem>>) src(%dma_wait3A_12 : memref<512xi32, #tpu.memory_space<hbm>>) dst(%arg5 : memref<512xi32, #tpu.memory_space<vmem>>)
    %dma_start3A_13 = arith.constant 0 : i32
    %dma_start3A_14 = arith.constant 0 : i32
    %dma_start3A_15 = tpu.memref_slice %arg2[%dma_start3A_13, %dma_start3A_14] : memref<1000000x32xf32, #tpu.memory_space<hbm>> -> memref<1000000x32xf32, #tpu.memory_space<hbm>>
    tpu.enqueue_indirect_dma source(%dma_start3A_15 : memref<1000000x32xf32, #tpu.memory_space<hbm>>) target(%arg7 : memref<512x32xf32, #tpu.memory_space<vmem>>) offsets(%arg5 : memref<512xi32, #tpu.memory_space<vmem>>) semaphore(%arg13 : memref<!tpu.dma_semaphore, #tpu.memory_space<semaphore_mem>>)
    %dma_start3A_16 = arith.constant 1 : i32
    %dma_start3A_17 = arith.constant 0 : i32
    %dma_start3A_18 = tpu.memref_slice %arg3[%add3A, %dma_start3A_16, %dma_start3A_17] : memref<32x50x512xi32, #tpu.memory_space<hbm>> -> memref<1x1x512xi32, #tpu.memory_space<hbm>>
    %dma_start3A_19 = tpu.memref_squeeze %dma_start3A_18 : memref<1x1x512xi32, #tpu.memory_space<hbm>> -> memref<512xi32, #tpu.memory_space<hbm>>
    %dma_start3A_20 = arith.constant 0 : i32
    %dma_start3A_21 = tpu.memref_slice %arg3[%add3A, %dma_start3A_16, %dma_start3A_20] : memref<32x50x512xi32, #tpu.memory_space<hbm>> -> memref<1x1x512xi32, #tpu.memory_space<hbm>>
    %dma_start3A_22 = tpu.memref_squeeze %dma_start3A_21 : memref<1x1x512xi32, #tpu.memory_space<hbm>> -> memref<512xi32, #tpu.memory_space<hbm>>
    tpu.enqueue_dma source(%dma_start3A_22 : memref<512xi32, #tpu.memory_space<hbm>>) target(%arg6 : memref<512xi32, #tpu.memory_space<vmem>>) target_semaphore(%arg12 : memref<!tpu.dma_semaphore, #tpu.memory_space<semaphore_mem>>)
    %scan3A = arith.constant 0 : i32
    %scan3A_23 = arith.constant 0 : i32
    %scan3A_24 = arith.constant 25 : i32
    %scan3A_25 = arith.addi %scan3A_23, %scan3A_24 : i32
    %scan3A_26 = arith.constant 1 : i32
    scf.for %scan3A_60 = %scan3A_23 to %scan3A_25 step %scan3A_26  : i32 {
      %mul3A_61 = arith.constant 2 : i32
      %mul3A_62 = arith.muli %mul3A_61, %scan3A_60 : i32
      %add3A_63 = arith.constant 0 : i32
      %add3A_64 = arith.addi %mul3A_62, %add3A_63 : i32
      %dma_wait3A_65 = arith.constant 0 : i32
      %dma_wait3A_66 = arith.constant 0 : i32
      %dma_wait3A_67 = tpu.memref_slice %arg2[%dma_wait3A_65, %dma_wait3A_66] : memref<1000000x32xf32, #tpu.memory_space<hbm>> -> memref<1000000x32xf32, #tpu.memory_space<hbm>>
      tpu.wait_indirect_dma semaphore(%arg13 : memref<!tpu.dma_semaphore, #tpu.memory_space<semaphore_mem>>) src(%dma_wait3A_67 : memref<1000000x32xf32, #tpu.memory_space<hbm>>) dst(%arg7 : memref<512x32xf32, #tpu.memory_space<vmem>>)
      %add3A_68 = arith.constant 1 : i32
      %add3A_69 = arith.addi %add3A_64, %add3A_68 : i32
      %dma_wait3A_70 = arith.constant 0 : i32
      %dma_wait3A_71 = tpu.memref_slice %arg3[%add3A, %add3A_69, %dma_wait3A_70] : memref<32x50x512xi32, #tpu.memory_space<hbm>> -> memref<1x1x512xi32, #tpu.memory_space<hbm>>
      %dma_wait3A_72 = tpu.memref_squeeze %dma_wait3A_71 : memref<1x1x512xi32, #tpu.memory_space<hbm>> -> memref<512xi32, #tpu.memory_space<hbm>>
      %dma_wait3A_73 = arith.constant 0 : i32
      %dma_wait3A_74 = tpu.memref_slice %arg3[%add3A, %add3A_69, %dma_wait3A_73] : memref<32x50x512xi32, #tpu.memory_space<hbm>> -> memref<1x1x512xi32, #tpu.memory_space<hbm>>
      %dma_wait3A_75 = tpu.memref_squeeze %dma_wait3A_74 : memref<1x1x512xi32, #tpu.memory_space<hbm>> -> memref<512xi32, #tpu.memory_space<hbm>>
      tpu.wait_dma2 semaphore(%arg12 : memref<!tpu.dma_semaphore, #tpu.memory_space<semaphore_mem>>) src(%dma_wait3A_75 : memref<512xi32, #tpu.memory_space<hbm>>) dst(%arg6 : memref<512xi32, #tpu.memory_space<vmem>>)
      %dma_start3A_76 = arith.constant 0 : i32
      %dma_start3A_77 = arith.constant 0 : i32
      %dma_start3A_78 = tpu.memref_slice %arg2[%dma_start3A_76, %dma_start3A_77] : memref<1000000x32xf32, #tpu.memory_space<hbm>> -> memref<1000000x32xf32, #tpu.memory_space<hbm>>
      tpu.enqueue_indirect_dma source(%dma_start3A_78 : memref<1000000x32xf32, #tpu.memory_space<hbm>>) target(%arg8 : memref<512x32xf32, #tpu.memory_space<vmem>>) offsets(%arg6 : memref<512xi32, #tpu.memory_space<vmem>>) semaphore(%arg14 : memref<!tpu.dma_semaphore, #tpu.memory_space<semaphore_mem>>)
      %lt3A = arith.constant 24 : i32
      %lt3A_79 = arith.cmpi slt, %scan3A_60, %lt3A : i32
      %convert_element_type3A = arith.extui %lt3A_79 : i1 to i32
      %cond3A = arith.constant 0 : i32
      %cond3A_80 = arith.cmpi ne, %convert_element_type3A, %cond3A : i32
      scf.if %cond3A_80 {
        %add3A_151 = arith.constant 2 : i32
        %add3A_152 = arith.addi %add3A_64, %add3A_151 : i32
        %dma_start3A_153 = arith.constant 0 : i32
        %dma_start3A_154 = tpu.memref_slice %arg3[%add3A, %add3A_152, %dma_start3A_153] : memref<32x50x512xi32, #tpu.memory_space<hbm>> -> memref<1x1x512xi32, #tpu.memory_space<hbm>>
        %dma_start3A_155 = tpu.memref_squeeze %dma_start3A_154 : memref<1x1x512xi32, #tpu.memory_space<hbm>> -> memref<512xi32, #tpu.memory_space<hbm>>
        %dma_start3A_156 = arith.constant 0 : i32
        %dma_start3A_157 = tpu.memref_slice %arg3[%add3A, %add3A_152, %dma_start3A_156] : memref<32x50x512xi32, #tpu.memory_space<hbm>> -> memref<1x1x512xi32, #tpu.memory_space<hbm>>
        %dma_start3A_158 = tpu.memref_squeeze %dma_start3A_157 : memref<1x1x512xi32, #tpu.memory_space<hbm>> -> memref<512xi32, #tpu.memory_space<hbm>>
        tpu.enqueue_dma source(%dma_start3A_158 : memref<512xi32, #tpu.memory_space<hbm>>) target(%arg5 : memref<512xi32, #tpu.memory_space<vmem>>) target_semaphore(%arg11 : memref<!tpu.dma_semaphore, #tpu.memory_space<semaphore_mem>>)
      } else {
      }
      %gt3A = arith.constant 0 : i32
      %gt3A_81 = arith.cmpi sgt, %scan3A_60, %gt3A : i32
      %convert_element_type3A_82 = arith.extui %gt3A_81 : i1 to i32
      %cond3A_83 = arith.constant 0 : i32
      %cond3A_84 = arith.cmpi ne, %convert_element_type3A_82, %cond3A_83 : i32
      scf.if %cond3A_84 {
        %sub3A = arith.constant 2 : i32
        %sub3A_151 = arith.subi %add3A_64, %sub3A : i32
        %mul3A_152 = arith.constant 4 : i32
        %mul3A_153 = arith.muli %sub3A_151, %mul3A_152 : i32
        %mul3A_154 = arith.constant 128 : i32
        %mul3A_155 = arith.muli %add3A, %mul3A_154 : i32
        %dma_wait3A_156 = arith.constant 0 : i32
        %dma_wait3A_157 = arith.constant 0 : i32
        %dma_wait3A_158 = arith.constant 0 : i32
        %dma_wait3A_159 = tpu.memref_slice %arg9[%dma_wait3A_156, %dma_wait3A_157, %dma_wait3A_158] : memref<4x32x129xf32, #tpu.memory_space<vmem>> -> memref<4x32x128xf32, #tpu.memory_space<vmem>>
        %dma_wait3A_160 = arith.constant 0 : i32
        %dma_wait3A_161 = tpu.memref_slice %arg4[%mul3A_153, %dma_wait3A_160, %mul3A_155] : memref<200x32x4096xf32, #tpu.memory_space<hbm>> -> memref<4x32x128xf32, #tpu.memory_space<hbm>>
        %dma_wait3A_162 = arith.constant 0 : i32
        %dma_wait3A_163 = tpu.memref_slice %arg4[%mul3A_153, %dma_wait3A_162, %mul3A_155] : memref<200x32x4096xf32, #tpu.memory_space<hbm>> -> memref<4x32x128xf32, #tpu.memory_space<hbm>>
        %dma_wait3A_164 = arith.constant 0 : i32
        %dma_wait3A_165 = arith.constant 0 : i32
        %dma_wait3A_166 = arith.constant 0 : i32
        %dma_wait3A_167 = tpu.memref_slice %arg9[%dma_wait3A_164, %dma_wait3A_165, %dma_wait3A_166] : memref<4x32x129xf32, #tpu.memory_space<vmem>> -> memref<4x32x128xf32, #tpu.memory_space<vmem>>
        tpu.wait_dma2 semaphore(%arg15 : memref<!tpu.dma_semaphore, #tpu.memory_space<semaphore_mem>>) src(%dma_wait3A_167 : memref<4x32x128xf32, #tpu.memory_space<vmem>>) dst(%dma_wait3A_163 : memref<4x32x128xf32, #tpu.memory_space<hbm>>)
      } else {
      }
      %scan3A_85 = arith.constant 0 : i32
      %scan3A_86 = arith.constant 0 : i32
      %scan3A_87 = arith.constant 4 : i32
      %scan3A_88 = arith.addi %scan3A_86, %scan3A_87 : i32
      %scan3A_89 = arith.constant 1 : i32
      scf.for %scan3A_151 = %scan3A_86 to %scan3A_88 step %scan3A_89  : i32 {
        %broadcast_in_dim3A = vector.broadcast %scan3A_151 : i32 to vector<16xi32>
        %scan3A_152 = arith.constant 0 : i32
        %scan3A_153 = arith.constant 0 : i32
        %scan3A_154 = arith.constant 128 : i32
        %scan3A_155 = arith.addi %scan3A_153, %scan3A_154 : i32
        %scan3A_156 = arith.constant 8 : i32
        scf.for %scan3A_158 = %scan3A_153 to %scan3A_155 step %scan3A_156  : i32 {
          %broadcast_in_dim3A_159 = vector.broadcast %scan3A_158 : i32 to vector<16xi32>
          %mul3A_160 = arith.constant 128 : i32
          %mul3A_161 = arith.muli %scan3A_151, %mul3A_160 : i32
          %add3A_162 = arith.addi %mul3A_161, %scan3A_158 : i32
          %get3A = arith.index_cast %add3A_162 : i32 to index
          %get3A_163 = arith.constant 0 : index
          %get3A_164 = tpu.vector_load %arg7[%get3A, %get3A_163] {strides = array<i32>} : memref<512x32xf32, #tpu.memory_space<vmem>>, vector<16xf32>,
          %get3A_165 = arith.index_cast %add3A_162 : i32 to index
          %get3A_166 = arith.constant 16 : index
          %get3A_167 = tpu.vector_load %arg7[%get3A_165, %get3A_166] {strides = array<i32>} : memref<512x32xf32, #tpu.memory_space<vmem>>, vector<16xf32>,
          tpu.vector_store_idx %arg9[%broadcast_in_dim3A, %iota3A, %broadcast_in_dim3A_159], %get3A_164 : memref<4x32x129xf32, #tpu.memory_space<vmem>>[vector<16xi32>, vector<16xi32>, vector<16xi32>], vector<16xf32>,
          %add3A_168 = arith.constant 16 : i32
          %add3A_169 = vector.broadcast %add3A_168 : i32 to vector<16xi32>
          %add3A_170 = arith.addi %iota3A, %add3A_169 : vector<16xi32>
          tpu.vector_store_idx %arg9[%broadcast_in_dim3A, %add3A_170, %broadcast_in_dim3A_159], %get3A_167 : memref<4x32x129xf32, #tpu.memory_space<vmem>>[vector<16xi32>, vector<16xi32>, vector<16xi32>], vector<16xf32>,
          %scan3A_171 = arith.constant 1 : i32
          %scan3A_172 = arith.addi %scan3A_158, %scan3A_171 : i32
          %broadcast_in_dim3A_173 = vector.broadcast %scan3A_172 : i32 to vector<16xi32>
          %mul3A_174 = arith.constant 128 : i32
          %mul3A_175 = arith.muli %scan3A_151, %mul3A_174 : i32
          %add3A_176 = arith.addi %mul3A_175, %scan3A_172 : i32
          %get3A_177 = arith.index_cast %add3A_176 : i32 to index
          %get3A_178 = arith.constant 0 : index
          %get3A_179 = tpu.vector_load %arg7[%get3A_177, %get3A_178] {strides = array<i32>} : memref<512x32xf32, #tpu.memory_space<vmem>>, vector<16xf32>,
          %get3A_180 = arith.index_cast %add3A_176 : i32 to index
          %get3A_181 = arith.constant 16 : index
          %get3A_182 = tpu.vector_load %arg7[%get3A_180, %get3A_181] {strides = array<i32>} : memref<512x32xf32, #tpu.memory_space<vmem>>, vector<16xf32>,
          tpu.vector_store_idx %arg9[%broadcast_in_dim3A, %iota3A, %broadcast_in_dim3A_173], %get3A_179 : memref<4x32x129xf32, #tpu.memory_space<vmem>>[vector<16xi32>, vector<16xi32>, vector<16xi32>], vector<16xf32>,
          %add3A_183 = arith.constant 16 : i32
          %add3A_184 = vector.broadcast %add3A_183 : i32 to vector<16xi32>
          %add3A_185 = arith.addi %iota3A, %add3A_184 : vector<16xi32>
          tpu.vector_store_idx %arg9[%broadcast_in_dim3A, %add3A_185, %broadcast_in_dim3A_173], %get3A_182 : memref<4x32x129xf32, #tpu.memory_space<vmem>>[vector<16xi32>, vector<16xi32>, vector<16xi32>], vector<16xf32>,
          %scan3A_186 = arith.constant 2 : i32
          %scan3A_187 = arith.addi %scan3A_158, %scan3A_186 : i32
          %broadcast_in_dim3A_188 = vector.broadcast %scan3A_187 : i32 to vector<16xi32>
          %mul3A_189 = arith.constant 128 : i32
          %mul3A_190 = arith.muli %scan3A_151, %mul3A_189 : i32
          %add3A_191 = arith.addi %mul3A_190, %scan3A_187 : i32
          %get3A_192 = arith.index_cast %add3A_191 : i32 to index
          %get3A_193 = arith.constant 0 : index
          %get3A_194 = tpu.vector_load %arg7[%get3A_192, %get3A_193] {strides = array<i32>} : memref<512x32xf32, #tpu.memory_space<vmem>>, vector<16xf32>,
          %get3A_195 = arith.index_cast %add3A_191 : i32 to index
          %get3A_196 = arith.constant 16 : index
          %get3A_197 = tpu.vector_load %arg7[%get3A_195, %get3A_196] {strides = array<i32>} : memref<512x32xf32, #tpu.memory_space<vmem>>, vector<16xf32>,
          tpu.vector_store_idx %arg9[%broadcast_in_dim3A, %iota3A, %broadcast_in_dim3A_188], %get3A_194 : memref<4x32x129xf32, #tpu.memory_space<vmem>>[vector<16xi32>, vector<16xi32>, vector<16xi32>], vector<16xf32>,
          %add3A_198 = arith.constant 16 : i32
          %add3A_199 = vector.broadcast %add3A_198 : i32 to vector<16xi32>
          %add3A_200 = arith.addi %iota3A, %add3A_199 : vector<16xi32>
          tpu.vector_store_idx %arg9[%broadcast_in_dim3A, %add3A_200, %broadcast_in_dim3A_188], %get3A_197 : memref<4x32x129xf32, #tpu.memory_space<vmem>>[vector<16xi32>, vector<16xi32>, vector<16xi32>], vector<16xf32>,
          %scan3A_201 = arith.constant 3 : i32
          %scan3A_202 = arith.addi %scan3A_158, %scan3A_201 : i32
          %broadcast_in_dim3A_203 = vector.broadcast %scan3A_202 : i32 to vector<16xi32>
          %mul3A_204 = arith.constant 128 : i32
          %mul3A_205 = arith.muli %scan3A_151, %mul3A_204 : i32
          %add3A_206 = arith.addi %mul3A_205, %scan3A_202 : i32
          %get3A_207 = arith.index_cast %add3A_206 : i32 to index
          %get3A_208 = arith.constant 0 : index
          %get3A_209 = tpu.vector_load %arg7[%get3A_207, %get3A_208] {strides = array<i32>} : memref<512x32xf32, #tpu.memory_space<vmem>>, vector<16xf32>,
          %get3A_210 = arith.index_cast %add3A_206 : i32 to index
          %get3A_211 = arith.constant 16 : index
          %get3A_212 = tpu.vector_load %arg7[%get3A_210, %get3A_211] {strides = array<i32>} : memref<512x32xf32, #tpu.memory_space<vmem>>, vector<16xf32>,
          tpu.vector_store_idx %arg9[%broadcast_in_dim3A, %iota3A, %broadcast_in_dim3A_203], %get3A_209 : memref<4x32x129xf32, #tpu.memory_space<vmem>>[vector<16xi32>, vector<16xi32>, vector<16xi32>], vector<16xf32>,
          %add3A_213 = arith.constant 16 : i32
          %add3A_214 = vector.broadcast %add3A_213 : i32 to vector<16xi32>
          %add3A_215 = arith.addi %iota3A, %add3A_214 : vector<16xi32>
          tpu.vector_store_idx %arg9[%broadcast_in_dim3A, %add3A_215, %broadcast_in_dim3A_203], %get3A_212 : memref<4x32x129xf32, #tpu.memory_space<vmem>>[vector<16xi32>, vector<16xi32>, vector<16xi32>], vector<16xf32>,
          %scan3A_216 = arith.constant 4 : i32
          %scan3A_217 = arith.addi %scan3A_158, %scan3A_216 : i32
          %broadcast_in_dim3A_218 = vector.broadcast %scan3A_217 : i32 to vector<16xi32>
          %mul3A_219 = arith.constant 128 : i32
          %mul3A_220 = arith.muli %scan3A_151, %mul3A_219 : i32
          %add3A_221 = arith.addi %mul3A_220, %scan3A_217 : i32
          %get3A_222 = arith.index_cast %add3A_221 : i32 to index
          %get3A_223 = arith.constant 0 : index
          %get3A_224 = tpu.vector_load %arg7[%get3A_222, %get3A_223] {strides = array<i32>} : memref<512x32xf32, #tpu.memory_space<vmem>>, vector<16xf32>,
          %get3A_225 = arith.index_cast %add3A_221 : i32 to index
          %get3A_226 = arith.constant 16 : index
          %get3A_227 = tpu.vector_load %arg7[%get3A_225, %get3A_226] {strides = array<i32>} : memref<512x32xf32, #tpu.memory_space<vmem>>, vector<16xf32>,
          tpu.vector_store_idx %arg9[%broadcast_in_dim3A, %iota3A, %broadcast_in_dim3A_218], %get3A_224 : memref<4x32x129xf32, #tpu.memory_space<vmem>>[vector<16xi32>, vector<16xi32>, vector<16xi32>], vector<16xf32>,
          %add3A_228 = arith.constant 16 : i32
          %add3A_229 = vector.broadcast %add3A_228 : i32 to vector<16xi32>
          %add3A_230 = arith.addi %iota3A, %add3A_229 : vector<16xi32>
          tpu.vector_store_idx %arg9[%broadcast_in_dim3A, %add3A_230, %broadcast_in_dim3A_218], %get3A_227 : memref<4x32x129xf32, #tpu.memory_space<vmem>>[vector<16xi32>, vector<16xi32>, vector<16xi32>], vector<16xf32>,
          %scan3A_231 = arith.constant 5 : i32
          %scan3A_232 = arith.addi %scan3A_158, %scan3A_231 : i32
          %broadcast_in_dim3A_233 = vector.broadcast %scan3A_232 : i32 to vector<16xi32>
          %mul3A_234 = arith.constant 128 : i32
          %mul3A_235 = arith.muli %scan3A_151, %mul3A_234 : i32
          %add3A_236 = arith.addi %mul3A_235, %scan3A_232 : i32
          %get3A_237 = arith.index_cast %add3A_236 : i32 to index
          %get3A_238 = arith.constant 0 : index
          %get3A_239 = tpu.vector_load %arg7[%get3A_237, %get3A_238] {strides = array<i32>} : memref<512x32xf32, #tpu.memory_space<vmem>>, vector<16xf32>,
          %get3A_240 = arith.index_cast %add3A_236 : i32 to index
          %get3A_241 = arith.constant 16 : index
          %get3A_242 = tpu.vector_load %arg7[%get3A_240, %get3A_241] {strides = array<i32>} : memref<512x32xf32, #tpu.memory_space<vmem>>, vector<16xf32>,
          tpu.vector_store_idx %arg9[%broadcast_in_dim3A, %iota3A, %broadcast_in_dim3A_233], %get3A_239 : memref<4x32x129xf32, #tpu.memory_space<vmem>>[vector<16xi32>, vector<16xi32>, vector<16xi32>], vector<16xf32>,
          %add3A_243 = arith.constant 16 : i32
          %add3A_244 = vector.broadcast %add3A_243 : i32 to vector<16xi32>
          %add3A_245 = arith.addi %iota3A, %add3A_244 : vector<16xi32>
          tpu.vector_store_idx %arg9[%broadcast_in_dim3A, %add3A_245, %broadcast_in_dim3A_233], %get3A_242 : memref<4x32x129xf32, #tpu.memory_space<vmem>>[vector<16xi32>, vector<16xi32>, vector<16xi32>], vector<16xf32>,
          %scan3A_246 = arith.constant 6 : i32
          %scan3A_247 = arith.addi %scan3A_158, %scan3A_246 : i32
          %broadcast_in_dim3A_248 = vector.broadcast %scan3A_247 : i32 to vector<16xi32>
          %mul3A_249 = arith.constant 128 : i32
          %mul3A_250 = arith.muli %scan3A_151, %mul3A_249 : i32
          %add3A_251 = arith.addi %mul3A_250, %scan3A_247 : i32
          %get3A_252 = arith.index_cast %add3A_251 : i32 to index
          %get3A_253 = arith.constant 0 : index
          %get3A_254 = tpu.vector_load %arg7[%get3A_252, %get3A_253] {strides = array<i32>} : memref<512x32xf32, #tpu.memory_space<vmem>>, vector<16xf32>,
          %get3A_255 = arith.index_cast %add3A_251 : i32 to index
          %get3A_256 = arith.constant 16 : index
          %get3A_257 = tpu.vector_load %arg7[%get3A_255, %get3A_256] {strides = array<i32>} : memref<512x32xf32, #tpu.memory_space<vmem>>, vector<16xf32>,
          tpu.vector_store_idx %arg9[%broadcast_in_dim3A, %iota3A, %broadcast_in_dim3A_248], %get3A_254 : memref<4x32x129xf32, #tpu.memory_space<vmem>>[vector<16xi32>, vector<16xi32>, vector<16xi32>], vector<16xf32>,
          %add3A_258 = arith.constant 16 : i32
          %add3A_259 = vector.broadcast %add3A_258 : i32 to vector<16xi32>
          %add3A_260 = arith.addi %iota3A, %add3A_259 : vector<16xi32>
          tpu.vector_store_idx %arg9[%broadcast_in_dim3A, %add3A_260, %broadcast_in_dim3A_248], %get3A_257 : memref<4x32x129xf32, #tpu.memory_space<vmem>>[vector<16xi32>, vector<16xi32>, vector<16xi32>], vector<16xf32>,
          %scan3A_261 = arith.constant 7 : i32
          %scan3A_262 = arith.addi %scan3A_158, %scan3A_261 : i32
          %broadcast_in_dim3A_263 = vector.broadcast %scan3A_262 : i32 to vector<16xi32>
          %mul3A_264 = arith.constant 128 : i32
          %mul3A_265 = arith.muli %scan3A_151, %mul3A_264 : i32
          %add3A_266 = arith.addi %mul3A_265, %scan3A_262 : i32
          %get3A_267 = arith.index_cast %add3A_266 : i32 to index
          %get3A_268 = arith.constant 0 : index
          %get3A_269 = tpu.vector_load %arg7[%get3A_267, %get3A_268] {strides = array<i32>} : memref<512x32xf32, #tpu.memory_space<vmem>>, vector<16xf32>,
          %get3A_270 = arith.index_cast %add3A_266 : i32 to index
          %get3A_271 = arith.constant 16 : index
          %get3A_272 = tpu.vector_load %arg7[%get3A_270, %get3A_271] {strides = array<i32>} : memref<512x32xf32, #tpu.memory_space<vmem>>, vector<16xf32>,
          tpu.vector_store_idx %arg9[%broadcast_in_dim3A, %iota3A, %broadcast_in_dim3A_263], %get3A_269 : memref<4x32x129xf32, #tpu.memory_space<vmem>>[vector<16xi32>, vector<16xi32>, vector<16xi32>], vector<16xf32>,
          %add3A_273 = arith.constant 16 : i32
          %add3A_274 = vector.broadcast %add3A_273 : i32 to vector<16xi32>
          %add3A_275 = arith.addi %iota3A, %add3A_274 : vector<16xi32>
          tpu.vector_store_idx %arg9[%broadcast_in_dim3A, %add3A_275, %broadcast_in_dim3A_263], %get3A_272 : memref<4x32x129xf32, #tpu.memory_space<vmem>>[vector<16xi32>, vector<16xi32>, vector<16xi32>], vector<16xf32>,
        }
        %scan3A_157 = arith.constant 128 : i32
      }
      %scan3A_90 = arith.constant 4 : i32
      %mul3A_91 = arith.constant 4 : i32
      %mul3A_92 = arith.muli %add3A_64, %mul3A_91 : i32
      %mul3A_93 = arith.constant 128 : i32
      %mul3A_94 = arith.muli %add3A, %mul3A_93 : i32
      %dma_start3A_95 = arith.constant 0 : i32
      %dma_start3A_96 = arith.constant 0 : i32
      %dma_start3A_97 = arith.constant 0 : i32
      %dma_start3A_98 = tpu.memref_slice %arg9[%dma_start3A_95, %dma_start3A_96, %dma_start3A_97] : memref<4x32x129xf32, #tpu.memory_space<vmem>> -> memref<4x32x128xf32, #tpu.memory_space<vmem>>
      %dma_start3A_99 = arith.constant 0 : i32
      %dma_start3A_100 = tpu.memref_slice %arg4[%mul3A_92, %dma_start3A_99, %mul3A_94] : memref<200x32x4096xf32, #tpu.memory_space<hbm>> -> memref<4x32x128xf32, #tpu.memory_space<hbm>>
      %dma_start3A_101 = arith.constant 0 : i32
      %dma_start3A_102 = tpu.memref_slice %arg4[%mul3A_92, %dma_start3A_101, %mul3A_94] : memref<200x32x4096xf32, #tpu.memory_space<hbm>> -> memref<4x32x128xf32, #tpu.memory_space<hbm>>
      %dma_start3A_103 = arith.constant 0 : i32
      %dma_start3A_104 = arith.constant 0 : i32
      %dma_start3A_105 = arith.constant 0 : i32
      %dma_start3A_106 = tpu.memref_slice %arg9[%dma_start3A_103, %dma_start3A_104, %dma_start3A_105] : memref<4x32x129xf32, #tpu.memory_space<vmem>> -> memref<4x32x128xf32, #tpu.memory_space<vmem>>
      tpu.enqueue_dma source(%dma_start3A_106 : memref<4x32x128xf32, #tpu.memory_space<vmem>>) target(%dma_start3A_102 : memref<4x32x128xf32, #tpu.memory_space<hbm>>) target_semaphore(%arg15 : memref<!tpu.dma_semaphore, #tpu.memory_space<semaphore_mem>>)
      %mul3A_107 = arith.constant 2 : i32
      %mul3A_108 = arith.muli %mul3A_107, %scan3A_60 : i32
      %add3A_109 = arith.constant 1 : i32
      %add3A_110 = arith.addi %mul3A_108, %add3A_109 : i32
      %dma_wait3A_111 = arith.constant 0 : i32
      %dma_wait3A_112 = arith.constant 0 : i32
      %dma_wait3A_113 = tpu.memref_slice %arg2[%dma_wait3A_111, %dma_wait3A_112] : memref<1000000x32xf32, #tpu.memory_space<hbm>> -> memref<1000000x32xf32, #tpu.memory_space<hbm>>
      tpu.wait_indirect_dma semaphore(%arg14 : memref<!tpu.dma_semaphore, #tpu.memory_space<semaphore_mem>>) src(%dma_wait3A_113 : memref<1000000x32xf32, #tpu.memory_space<hbm>>) dst(%arg8 : memref<512x32xf32, #tpu.memory_space<vmem>>)
      %lt3A_114 = arith.constant 24 : i32
      %lt3A_115 = arith.cmpi slt, %scan3A_60, %lt3A_114 : i32
      %convert_element_type3A_116 = arith.extui %lt3A_115 : i1 to i32
      %cond3A_117 = arith.constant 0 : i32
      %cond3A_118 = arith.cmpi ne, %convert_element_type3A_116, %cond3A_117 : i32
      scf.if %cond3A_118 {
        %add3A_151 = arith.constant 1 : i32
        %add3A_152 = arith.addi %add3A_110, %add3A_151 : i32
        %dma_wait3A_153 = arith.constant 0 : i32
        %dma_wait3A_154 = tpu.memref_slice %arg3[%add3A, %add3A_152, %dma_wait3A_153] : memref<32x50x512xi32, #tpu.memory_space<hbm>> -> memref<1x1x512xi32, #tpu.memory_space<hbm>>
        %dma_wait3A_155 = tpu.memref_squeeze %dma_wait3A_154 : memref<1x1x512xi32, #tpu.memory_space<hbm>> -> memref<512xi32, #tpu.memory_space<hbm>>
        %dma_wait3A_156 = arith.constant 0 : i32
        %dma_wait3A_157 = tpu.memref_slice %arg3[%add3A, %add3A_152, %dma_wait3A_156] : memref<32x50x512xi32, #tpu.memory_space<hbm>> -> memref<1x1x512xi32, #tpu.memory_space<hbm>>
        %dma_wait3A_158 = tpu.memref_squeeze %dma_wait3A_157 : memref<1x1x512xi32, #tpu.memory_space<hbm>> -> memref<512xi32, #tpu.memory_space<hbm>>
        tpu.wait_dma2 semaphore(%arg11 : memref<!tpu.dma_semaphore, #tpu.memory_space<semaphore_mem>>) src(%dma_wait3A_158 : memref<512xi32, #tpu.memory_space<hbm>>) dst(%arg5 : memref<512xi32, #tpu.memory_space<vmem>>)
        %dma_start3A_159 = arith.constant 0 : i32
        %dma_start3A_160 = arith.constant 0 : i32
        %dma_start3A_161 = tpu.memref_slice %arg2[%dma_start3A_159, %dma_start3A_160] : memref<1000000x32xf32, #tpu.memory_space<hbm>> -> memref<1000000x32xf32, #tpu.memory_space<hbm>>
        tpu.enqueue_indirect_dma source(%dma_start3A_161 : memref<1000000x32xf32, #tpu.memory_space<hbm>>) target(%arg7 : memref<512x32xf32, #tpu.memory_space<vmem>>) offsets(%arg5 : memref<512xi32, #tpu.memory_space<vmem>>) semaphore(%arg13 : memref<!tpu.dma_semaphore, #tpu.memory_space<semaphore_mem>>)
      } else {
      }
      %lt3A_119 = arith.constant 24 : i32
      %lt3A_120 = arith.cmpi slt, %scan3A_60, %lt3A_119 : i32
      %convert_element_type3A_121 = arith.extui %lt3A_120 : i1 to i32
      %cond3A_122 = arith.constant 0 : i32
      %cond3A_123 = arith.cmpi ne, %convert_element_type3A_121, %cond3A_122 : i32
      scf.if %cond3A_123 {
        %add3A_151 = arith.constant 2 : i32
        %add3A_152 = arith.addi %add3A_110, %add3A_151 : i32
        %dma_start3A_153 = arith.constant 0 : i32
        %dma_start3A_154 = tpu.memref_slice %arg3[%add3A, %add3A_152, %dma_start3A_153] : memref<32x50x512xi32, #tpu.memory_space<hbm>> -> memref<1x1x512xi32, #tpu.memory_space<hbm>>
        %dma_start3A_155 = tpu.memref_squeeze %dma_start3A_154 : memref<1x1x512xi32, #tpu.memory_space<hbm>> -> memref<512xi32, #tpu.memory_space<hbm>>
        %dma_start3A_156 = arith.constant 0 : i32
        %dma_start3A_157 = tpu.memref_slice %arg3[%add3A, %add3A_152, %dma_start3A_156] : memref<32x50x512xi32, #tpu.memory_space<hbm>> -> memref<1x1x512xi32, #tpu.memory_space<hbm>>
        %dma_start3A_158 = tpu.memref_squeeze %dma_start3A_157 : memref<1x1x512xi32, #tpu.memory_space<hbm>> -> memref<512xi32, #tpu.memory_space<hbm>>
        tpu.enqueue_dma source(%dma_start3A_158 : memref<512xi32, #tpu.memory_space<hbm>>) target(%arg6 : memref<512xi32, #tpu.memory_space<vmem>>) target_semaphore(%arg12 : memref<!tpu.dma_semaphore, #tpu.memory_space<semaphore_mem>>)
      } else {
      }
      %gt3A_124 = arith.constant 0 : i32
      %gt3A_125 = arith.cmpi sgt, %scan3A_60, %gt3A_124 : i32
      %convert_element_type3A_126 = arith.extui %gt3A_125 : i1 to i32
      %cond3A_127 = arith.constant 0 : i32
      %cond3A_128 = arith.cmpi ne, %convert_element_type3A_126, %cond3A_127 : i32
      scf.if %cond3A_128 {
        %sub3A = arith.constant 2 : i32
        %sub3A_151 = arith.subi %add3A_110, %sub3A : i32
        %mul3A_152 = arith.constant 4 : i32
        %mul3A_153 = arith.muli %sub3A_151, %mul3A_152 : i32
        %mul3A_154 = arith.constant 128 : i32
        %mul3A_155 = arith.muli %add3A, %mul3A_154 : i32
        %dma_wait3A_156 = arith.constant 0 : i32
        %dma_wait3A_157 = arith.constant 0 : i32
        %dma_wait3A_158 = arith.constant 0 : i32
        %dma_wait3A_159 = tpu.memref_slice %arg10[%dma_wait3A_156, %dma_wait3A_157, %dma_wait3A_158] : memref<4x32x129xf32, #tpu.memory_space<vmem>> -> memref<4x32x128xf32, #tpu.memory_space<vmem>>
        %dma_wait3A_160 = arith.constant 0 : i32
        %dma_wait3A_161 = tpu.memref_slice %arg4[%mul3A_153, %dma_wait3A_160, %mul3A_155] : memref<200x32x4096xf32, #tpu.memory_space<hbm>> -> memref<4x32x128xf32, #tpu.memory_space<hbm>>
        %dma_wait3A_162 = arith.constant 0 : i32
        %dma_wait3A_163 = tpu.memref_slice %arg4[%mul3A_153, %dma_wait3A_162, %mul3A_155] : memref<200x32x4096xf32, #tpu.memory_space<hbm>> -> memref<4x32x128xf32, #tpu.memory_space<hbm>>
        %dma_wait3A_164 = arith.constant 0 : i32
        %dma_wait3A_165 = arith.constant 0 : i32
        %dma_wait3A_166 = arith.constant 0 : i32
        %dma_wait3A_167 = tpu.memref_slice %arg10[%dma_wait3A_164, %dma_wait3A_165, %dma_wait3A_166] : memref<4x32x129xf32, #tpu.memory_space<vmem>> -> memref<4x32x128xf32, #tpu.memory_space<vmem>>
        tpu.wait_dma2 semaphore(%arg16 : memref<!tpu.dma_semaphore, #tpu.memory_space<semaphore_mem>>) src(%dma_wait3A_167 : memref<4x32x128xf32, #tpu.memory_space<vmem>>) dst(%dma_wait3A_163 : memref<4x32x128xf32, #tpu.memory_space<hbm>>)
      } else {
      }
      %scan3A_129 = arith.constant 0 : i32
      %scan3A_130 = arith.constant 0 : i32
      %scan3A_131 = arith.constant 4 : i32
      %scan3A_132 = arith.addi %scan3A_130, %scan3A_131 : i32
      %scan3A_133 = arith.constant 1 : i32
      scf.for %scan3A_151 = %scan3A_130 to %scan3A_132 step %scan3A_133  : i32 {
        %broadcast_in_dim3A = vector.broadcast %scan3A_151 : i32 to vector<16xi32>
        %scan3A_152 = arith.constant 0 : i32
        %scan3A_153 = arith.constant 0 : i32
        %scan3A_154 = arith.constant 128 : i32
        %scan3A_155 = arith.addi %scan3A_153, %scan3A_154 : i32
        %scan3A_156 = arith.constant 8 : i32
        scf.for %scan3A_158 = %scan3A_153 to %scan3A_155 step %scan3A_156  : i32 {
          %broadcast_in_dim3A_159 = vector.broadcast %scan3A_158 : i32 to vector<16xi32>
          %mul3A_160 = arith.constant 128 : i32
          %mul3A_161 = arith.muli %scan3A_151, %mul3A_160 : i32
          %add3A_162 = arith.addi %mul3A_161, %scan3A_158 : i32
          %get3A = arith.index_cast %add3A_162 : i32 to index
          %get3A_163 = arith.constant 0 : index
          %get3A_164 = tpu.vector_load %arg8[%get3A, %get3A_163] {strides = array<i32>} : memref<512x32xf32, #tpu.memory_space<vmem>>, vector<16xf32>,
          %get3A_165 = arith.index_cast %add3A_162 : i32 to index
          %get3A_166 = arith.constant 16 : index
          %get3A_167 = tpu.vector_load %arg8[%get3A_165, %get3A_166] {strides = array<i32>} : memref<512x32xf32, #tpu.memory_space<vmem>>, vector<16xf32>,
          tpu.vector_store_idx %arg10[%broadcast_in_dim3A, %iota3A, %broadcast_in_dim3A_159], %get3A_164 : memref<4x32x129xf32, #tpu.memory_space<vmem>>[vector<16xi32>, vector<16xi32>, vector<16xi32>], vector<16xf32>,
          %add3A_168 = arith.constant 16 : i32
          %add3A_169 = vector.broadcast %add3A_168 : i32 to vector<16xi32>
          %add3A_170 = arith.addi %iota3A, %add3A_169 : vector<16xi32>
          tpu.vector_store_idx %arg10[%broadcast_in_dim3A, %add3A_170, %broadcast_in_dim3A_159], %get3A_167 : memref<4x32x129xf32, #tpu.memory_space<vmem>>[vector<16xi32>, vector<16xi32>, vector<16xi32>], vector<16xf32>,
          %scan3A_171 = arith.constant 1 : i32
          %scan3A_172 = arith.addi %scan3A_158, %scan3A_171 : i32
          %broadcast_in_dim3A_173 = vector.broadcast %scan3A_172 : i32 to vector<16xi32>
          %mul3A_174 = arith.constant 128 : i32
          %mul3A_175 = arith.muli %scan3A_151, %mul3A_174 : i32
          %add3A_176 = arith.addi %mul3A_175, %scan3A_172 : i32
          %get3A_177 = arith.index_cast %add3A_176 : i32 to index
          %get3A_178 = arith.constant 0 : index
          %get3A_179 = tpu.vector_load %arg8[%get3A_177, %get3A_178] {strides = array<i32>} : memref<512x32xf32, #tpu.memory_space<vmem>>, vector<16xf32>,
          %get3A_180 = arith.index_cast %add3A_176 : i32 to index
          %get3A_181 = arith.constant 16 : index
          %get3A_182 = tpu.vector_load %arg8[%get3A_180, %get3A_181] {strides = array<i32>} : memref<512x32xf32, #tpu.memory_space<vmem>>, vector<16xf32>,
          tpu.vector_store_idx %arg10[%broadcast_in_dim3A, %iota3A, %broadcast_in_dim3A_173], %get3A_179 : memref<4x32x129xf32, #tpu.memory_space<vmem>>[vector<16xi32>, vector<16xi32>, vector<16xi32>], vector<16xf32>,
          %add3A_183 = arith.constant 16 : i32
          %add3A_184 = vector.broadcast %add3A_183 : i32 to vector<16xi32>
          %add3A_185 = arith.addi %iota3A, %add3A_184 : vector<16xi32>
          tpu.vector_store_idx %arg10[%broadcast_in_dim3A, %add3A_185, %broadcast_in_dim3A_173], %get3A_182 : memref<4x32x129xf32, #tpu.memory_space<vmem>>[vector<16xi32>, vector<16xi32>, vector<16xi32>], vector<16xf32>,
          %scan3A_186 = arith.constant 2 : i32
          %scan3A_187 = arith.addi %scan3A_158, %scan3A_186 : i32
          %broadcast_in_dim3A_188 = vector.broadcast %scan3A_187 : i32 to vector<16xi32>
          %mul3A_189 = arith.constant 128 : i32
          %mul3A_190 = arith.muli %scan3A_151, %mul3A_189 : i32
          %add3A_191 = arith.addi %mul3A_190, %scan3A_187 : i32
          %get3A_192 = arith.index_cast %add3A_191 : i32 to index
          %get3A_193 = arith.constant 0 : index
          %get3A_194 = tpu.vector_load %arg8[%get3A_192, %get3A_193] {strides = array<i32>} : memref<512x32xf32, #tpu.memory_space<vmem>>, vector<16xf32>,
          %get3A_195 = arith.index_cast %add3A_191 : i32 to index
          %get3A_196 = arith.constant 16 : index
          %get3A_197 = tpu.vector_load %arg8[%get3A_195, %get3A_196] {strides = array<i32>} : memref<512x32xf32, #tpu.memory_space<vmem>>, vector<16xf32>,
          tpu.vector_store_idx %arg10[%broadcast_in_dim3A, %iota3A, %broadcast_in_dim3A_188], %get3A_194 : memref<4x32x129xf32, #tpu.memory_space<vmem>>[vector<16xi32>, vector<16xi32>, vector<16xi32>], vector<16xf32>,
          %add3A_198 = arith.constant 16 : i32
          %add3A_199 = vector.broadcast %add3A_198 : i32 to vector<16xi32>
          %add3A_200 = arith.addi %iota3A, %add3A_199 : vector<16xi32>
          tpu.vector_store_idx %arg10[%broadcast_in_dim3A, %add3A_200, %broadcast_in_dim3A_188], %get3A_197 : memref<4x32x129xf32, #tpu.memory_space<vmem>>[vector<16xi32>, vector<16xi32>, vector<16xi32>], vector<16xf32>,
          %scan3A_201 = arith.constant 3 : i32
          %scan3A_202 = arith.addi %scan3A_158, %scan3A_201 : i32
          %broadcast_in_dim3A_203 = vector.broadcast %scan3A_202 : i32 to vector<16xi32>
          %mul3A_204 = arith.constant 128 : i32
          %mul3A_205 = arith.muli %scan3A_151, %mul3A_204 : i32
          %add3A_206 = arith.addi %mul3A_205, %scan3A_202 : i32
          %get3A_207 = arith.index_cast %add3A_206 : i32 to index
          %get3A_208 = arith.constant 0 : index
          %get3A_209 = tpu.vector_load %arg8[%get3A_207, %get3A_208] {strides = array<i32>} : memref<512x32xf32, #tpu.memory_space<vmem>>, vector<16xf32>,
          %get3A_210 = arith.index_cast %add3A_206 : i32 to index
          %get3A_211 = arith.constant 16 : index
          %get3A_212 = tpu.vector_load %arg8[%get3A_210, %get3A_211] {strides = array<i32>} : memref<512x32xf32, #tpu.memory_space<vmem>>, vector<16xf32>,
          tpu.vector_store_idx %arg10[%broadcast_in_dim3A, %iota3A, %broadcast_in_dim3A_203], %get3A_209 : memref<4x32x129xf32, #tpu.memory_space<vmem>>[vector<16xi32>, vector<16xi32>, vector<16xi32>], vector<16xf32>,
          %add3A_213 = arith.constant 16 : i32
          %add3A_214 = vector.broadcast %add3A_213 : i32 to vector<16xi32>
          %add3A_215 = arith.addi %iota3A, %add3A_214 : vector<16xi32>
          tpu.vector_store_idx %arg10[%broadcast_in_dim3A, %add3A_215, %broadcast_in_dim3A_203], %get3A_212 : memref<4x32x129xf32, #tpu.memory_space<vmem>>[vector<16xi32>, vector<16xi32>, vector<16xi32>], vector<16xf32>,
          %scan3A_216 = arith.constant 4 : i32
          %scan3A_217 = arith.addi %scan3A_158, %scan3A_216 : i32
          %broadcast_in_dim3A_218 = vector.broadcast %scan3A_217 : i32 to vector<16xi32>
          %mul3A_219 = arith.constant 128 : i32
          %mul3A_220 = arith.muli %scan3A_151, %mul3A_219 : i32
          %add3A_221 = arith.addi %mul3A_220, %scan3A_217 : i32
          %get3A_222 = arith.index_cast %add3A_221 : i32 to index
          %get3A_223 = arith.constant 0 : index
          %get3A_224 = tpu.vector_load %arg8[%get3A_222, %get3A_223] {strides = array<i32>} : memref<512x32xf32, #tpu.memory_space<vmem>>, vector<16xf32>,
          %get3A_225 = arith.index_cast %add3A_221 : i32 to index
          %get3A_226 = arith.constant 16 : index
          %get3A_227 = tpu.vector_load %arg8[%get3A_225, %get3A_226] {strides = array<i32>} : memref<512x32xf32, #tpu.memory_space<vmem>>, vector<16xf32>,
          tpu.vector_store_idx %arg10[%broadcast_in_dim3A, %iota3A, %broadcast_in_dim3A_218], %get3A_224 : memref<4x32x129xf32, #tpu.memory_space<vmem>>[vector<16xi32>, vector<16xi32>, vector<16xi32>], vector<16xf32>,
          %add3A_228 = arith.constant 16 : i32
          %add3A_229 = vector.broadcast %add3A_228 : i32 to vector<16xi32>
          %add3A_230 = arith.addi %iota3A, %add3A_229 : vector<16xi32>
          tpu.vector_store_idx %arg10[%broadcast_in_dim3A, %add3A_230, %broadcast_in_dim3A_218], %get3A_227 : memref<4x32x129xf32, #tpu.memory_space<vmem>>[vector<16xi32>, vector<16xi32>, vector<16xi32>], vector<16xf32>,
          %scan3A_231 = arith.constant 5 : i32
          %scan3A_232 = arith.addi %scan3A_158, %scan3A_231 : i32
          %broadcast_in_dim3A_233 = vector.broadcast %scan3A_232 : i32 to vector<16xi32>
          %mul3A_234 = arith.constant 128 : i32
          %mul3A_235 = arith.muli %scan3A_151, %mul3A_234 : i32
          %add3A_236 = arith.addi %mul3A_235, %scan3A_232 : i32
          %get3A_237 = arith.index_cast %add3A_236 : i32 to index
          %get3A_238 = arith.constant 0 : index
          %get3A_239 = tpu.vector_load %arg8[%get3A_237, %get3A_238] {strides = array<i32>} : memref<512x32xf32, #tpu.memory_space<vmem>>, vector<16xf32>,
          %get3A_240 = arith.index_cast %add3A_236 : i32 to index
          %get3A_241 = arith.constant 16 : index
          %get3A_242 = tpu.vector_load %arg8[%get3A_240, %get3A_241] {strides = array<i32>} : memref<512x32xf32, #tpu.memory_space<vmem>>, vector<16xf32>,
          tpu.vector_store_idx %arg10[%broadcast_in_dim3A, %iota3A, %broadcast_in_dim3A_233], %get3A_239 : memref<4x32x129xf32, #tpu.memory_space<vmem>>[vector<16xi32>, vector<16xi32>, vector<16xi32>], vector<16xf32>,
          %add3A_243 = arith.constant 16 : i32
          %add3A_244 = vector.broadcast %add3A_243 : i32 to vector<16xi32>
          %add3A_245 = arith.addi %iota3A, %add3A_244 : vector<16xi32>
          tpu.vector_store_idx %arg10[%broadcast_in_dim3A, %add3A_245, %broadcast_in_dim3A_233], %get3A_242 : memref<4x32x129xf32, #tpu.memory_space<vmem>>[vector<16xi32>, vector<16xi32>, vector<16xi32>], vector<16xf32>,
          %scan3A_246 = arith.constant 6 : i32
          %scan3A_247 = arith.addi %scan3A_158, %scan3A_246 : i32
          %broadcast_in_dim3A_248 = vector.broadcast %scan3A_247 : i32 to vector<16xi32>
          %mul3A_249 = arith.constant 128 : i32
          %mul3A_250 = arith.muli %scan3A_151, %mul3A_249 : i32
          %add3A_251 = arith.addi %mul3A_250, %scan3A_247 : i32
          %get3A_252 = arith.index_cast %add3A_251 : i32 to index
          %get3A_253 = arith.constant 0 : index
          %get3A_254 = tpu.vector_load %arg8[%get3A_252, %get3A_253] {strides = array<i32>} : memref<512x32xf32, #tpu.memory_space<vmem>>, vector<16xf32>,
          %get3A_255 = arith.index_cast %add3A_251 : i32 to index
          %get3A_256 = arith.constant 16 : index
          %get3A_257 = tpu.vector_load %arg8[%get3A_255, %get3A_256] {strides = array<i32>} : memref<512x32xf32, #tpu.memory_space<vmem>>, vector<16xf32>,
          tpu.vector_store_idx %arg10[%broadcast_in_dim3A, %iota3A, %broadcast_in_dim3A_248], %get3A_254 : memref<4x32x129xf32, #tpu.memory_space<vmem>>[vector<16xi32>, vector<16xi32>, vector<16xi32>], vector<16xf32>,
          %add3A_258 = arith.constant 16 : i32
          %add3A_259 = vector.broadcast %add3A_258 : i32 to vector<16xi32>
          %add3A_260 = arith.addi %iota3A, %add3A_259 : vector<16xi32>
          tpu.vector_store_idx %arg10[%broadcast_in_dim3A, %add3A_260, %broadcast_in_dim3A_248], %get3A_257 : memref<4x32x129xf32, #tpu.memory_space<vmem>>[vector<16xi32>, vector<16xi32>, vector<16xi32>], vector<16xf32>,
          %scan3A_261 = arith.constant 7 : i32
          %scan3A_262 = arith.addi %scan3A_158, %scan3A_261 : i32
          %broadcast_in_dim3A_263 = vector.broadcast %scan3A_262 : i32 to vector<16xi32>
          %mul3A_264 = arith.constant 128 : i32
          %mul3A_265 = arith.muli %scan3A_151, %mul3A_264 : i32
          %add3A_266 = arith.addi %mul3A_265, %scan3A_262 : i32
          %get3A_267 = arith.index_cast %add3A_266 : i32 to index
          %get3A_268 = arith.constant 0 : index
          %get3A_269 = tpu.vector_load %arg8[%get3A_267, %get3A_268] {strides = array<i32>} : memref<512x32xf32, #tpu.memory_space<vmem>>, vector<16xf32>,
          %get3A_270 = arith.index_cast %add3A_266 : i32 to index
          %get3A_271 = arith.constant 16 : index
          %get3A_272 = tpu.vector_load %arg8[%get3A_270, %get3A_271] {strides = array<i32>} : memref<512x32xf32, #tpu.memory_space<vmem>>, vector<16xf32>,
          tpu.vector_store_idx %arg10[%broadcast_in_dim3A, %iota3A, %broadcast_in_dim3A_263], %get3A_269 : memref<4x32x129xf32, #tpu.memory_space<vmem>>[vector<16xi32>, vector<16xi32>, vector<16xi32>], vector<16xf32>,
          %add3A_273 = arith.constant 16 : i32
          %add3A_274 = vector.broadcast %add3A_273 : i32 to vector<16xi32>
          %add3A_275 = arith.addi %iota3A, %add3A_274 : vector<16xi32>
          tpu.vector_store_idx %arg10[%broadcast_in_dim3A, %add3A_275, %broadcast_in_dim3A_263], %get3A_272 : memref<4x32x129xf32, #tpu.memory_space<vmem>>[vector<16xi32>, vector<16xi32>, vector<16xi32>], vector<16xf32>,
        }
        %scan3A_157 = arith.constant 128 : i32
      }
      %scan3A_134 = arith.constant 4 : i32
      %mul3A_135 = arith.constant 4 : i32
      %mul3A_136 = arith.muli %add3A_110, %mul3A_135 : i32
      %mul3A_137 = arith.constant 128 : i32
      %mul3A_138 = arith.muli %add3A, %mul3A_137 : i32
      %dma_start3A_139 = arith.constant 0 : i32
      %dma_start3A_140 = arith.constant 0 : i32
      %dma_start3A_141 = arith.constant 0 : i32
      %dma_start3A_142 = tpu.memref_slice %arg10[%dma_start3A_139, %dma_start3A_140, %dma_start3A_141] : memref<4x32x129xf32, #tpu.memory_space<vmem>> -> memref<4x32x128xf32, #tpu.memory_space<vmem>>
      %dma_start3A_143 = arith.constant 0 : i32
      %dma_start3A_144 = tpu.memref_slice %arg4[%mul3A_136, %dma_start3A_143, %mul3A_138] : memref<200x32x4096xf32, #tpu.memory_space<hbm>> -> memref<4x32x128xf32, #tpu.memory_space<hbm>>
      %dma_start3A_145 = arith.constant 0 : i32
      %dma_start3A_146 = tpu.memref_slice %arg4[%mul3A_136, %dma_start3A_145, %mul3A_138] : memref<200x32x4096xf32, #tpu.memory_space<hbm>> -> memref<4x32x128xf32, #tpu.memory_space<hbm>>
      %dma_start3A_147 = arith.constant 0 : i32
      %dma_start3A_148 = arith.constant 0 : i32
      %dma_start3A_149 = arith.constant 0 : i32
      %dma_start3A_150 = tpu.memref_slice %arg10[%dma_start3A_147, %dma_start3A_148, %dma_start3A_149] : memref<4x32x129xf32, #tpu.memory_space<vmem>> -> memref<4x32x128xf32, #tpu.memory_space<vmem>>
      tpu.enqueue_dma source(%dma_start3A_150 : memref<4x32x128xf32, #tpu.memory_space<vmem>>) target(%dma_start3A_146 : memref<4x32x128xf32, #tpu.memory_space<hbm>>) target_semaphore(%arg16 : memref<!tpu.dma_semaphore, #tpu.memory_space<semaphore_mem>>)
    }
    %scan3A_27 = arith.constant 25 : i32
    %mul3A_28 = arith.constant 128 : i32
    %mul3A_29 = arith.muli %add3A, %mul3A_28 : i32
    %dma_wait3A_30 = arith.constant 0 : i32
    %dma_wait3A_31 = arith.constant 0 : i32
    %dma_wait3A_32 = arith.constant 0 : i32
    %dma_wait3A_33 = tpu.memref_slice %arg9[%dma_wait3A_30, %dma_wait3A_31, %dma_wait3A_32] : memref<4x32x129xf32, #tpu.memory_space<vmem>> -> memref<4x32x128xf32, #tpu.memory_space<vmem>>
    %dma_wait3A_34 = arith.constant 192 : i32
    %dma_wait3A_35 = arith.constant 0 : i32
    %dma_wait3A_36 = tpu.memref_slice %arg4[%dma_wait3A_34, %dma_wait3A_35, %mul3A_29] : memref<200x32x4096xf32, #tpu.memory_space<hbm>> -> memref<4x32x128xf32, #tpu.memory_space<hbm>>
    %dma_wait3A_37 = arith.constant 192 : i32
    %dma_wait3A_38 = arith.constant 0 : i32
    %dma_wait3A_39 = tpu.memref_slice %arg4[%dma_wait3A_37, %dma_wait3A_38, %mul3A_29] : memref<200x32x4096xf32, #tpu.memory_space<hbm>> -> memref<4x32x128xf32, #tpu.memory_space<hbm>>
    %dma_wait3A_40 = arith.constant 0 : i32
    %dma_wait3A_41 = arith.constant 0 : i32
    %dma_wait3A_42 = arith.constant 0 : i32
    %dma_wait3A_43 = tpu.memref_slice %arg9[%dma_wait3A_40, %dma_wait3A_41, %dma_wait3A_42] : memref<4x32x129xf32, #tpu.memory_space<vmem>> -> memref<4x32x128xf32, #tpu.memory_space<vmem>>
    tpu.wait_dma2 semaphore(%arg15 : memref<!tpu.dma_semaphore, #tpu.memory_space<semaphore_mem>>) src(%dma_wait3A_43 : memref<4x32x128xf32, #tpu.memory_space<vmem>>) dst(%dma_wait3A_39 : memref<4x32x128xf32, #tpu.memory_space<hbm>>)
    %mul3A_44 = arith.constant 128 : i32
    %mul3A_45 = arith.muli %add3A, %mul3A_44 : i32
    %dma_wait3A_46 = arith.constant 0 : i32
    %dma_wait3A_47 = arith.constant 0 : i32
    %dma_wait3A_48 = arith.constant 0 : i32
    %dma_wait3A_49 = tpu.memref_slice %arg10[%dma_wait3A_46, %dma_wait3A_47, %dma_wait3A_48] : memref<4x32x129xf32, #tpu.memory_space<vmem>> -> memref<4x32x128xf32, #tpu.memory_space<vmem>>
    %dma_wait3A_50 = arith.constant 196 : i32
    %dma_wait3A_51 = arith.constant 0 : i32
    %dma_wait3A_52 = tpu.memref_slice %arg4[%dma_wait3A_50, %dma_wait3A_51, %mul3A_45] : memref<200x32x4096xf32, #tpu.memory_space<hbm>> -> memref<4x32x128xf32, #tpu.memory_space<hbm>>
    %dma_wait3A_53 = arith.constant 196 : i32
    %dma_wait3A_54 = arith.constant 0 : i32
    %dma_wait3A_55 = tpu.memref_slice %arg4[%dma_wait3A_53, %dma_wait3A_54, %mul3A_45] : memref<200x32x4096xf32, #tpu.memory_space<hbm>> -> memref<4x32x128xf32, #tpu.memory_space<hbm>>
    %dma_wait3A_56 = arith.constant 0 : i32
    %dma_wait3A_57 = arith.constant 0 : i32
    %dma_wait3A_58 = arith.constant 0 : i32
    %dma_wait3A_59 = tpu.memref_slice %arg10[%dma_wait3A_56, %dma_wait3A_57, %dma_wait3A_58] : memref<4x32x129xf32, #tpu.memory_space<vmem>> -> memref<4x32x128xf32, #tpu.memory_space<vmem>>
    tpu.wait_dma2 semaphore(%arg16 : memref<!tpu.dma_semaphore, #tpu.memory_space<semaphore_mem>>) src(%dma_wait3A_59 : memref<4x32x128xf32, #tpu.memory_space<vmem>>) dst(%dma_wait3A_55 : memref<4x32x128xf32, #tpu.memory_space<hbm>>)
    return
  }
}

</mosaic_0001>

<sc_bundles>
// kernel: _sc_lookup.3.cloned.1.call-start
scs
__scs_entry_jumppad:
0x0: {  	(pc) =	sbr.rel $0x88, $3  }
0x1: {  	(tag) =	ssettag $0x0;
	lr =	simm.s32 $0x1  }
0x2: {  	[smem:$0x3F9F] =	sst lr;
	_ =	strace $0xD0000000  }
0x3: {  	_ = 	snop  }
0x4: {  	_ = 	snop  }
0x5: {  	_ = 	snop  }
0x6: {  	_ = 	snop  }
0x7: {  	_ = 	snop  }
__scs_overlays_trampoline_lowered:
0x8: {  	[smem:$0x3FAE] =	sst s0  }
0x9: {  	[smem:$0x3FAF] =	sst s1  }
0xa: {  	[smem:$0x3FB0] =	sst s2  }
0xb: {  	[smem:$0x3FB1] =	sst s3  }
0xc: {  	[smem:$0x3FB2] =	sst s4  }
0xd: {  	[smem:$0x3FB3] =	sst s5  }
0xe: {  	[smem:$0x3FB4] =	sst s6  }
0xf: {  	[smem:$0x3FB5] =	sst s7  }
0x10: {  	[smem:$0x3FB6] =	sst s8  }
0x11: {  	[smem:$0x3FB7] =	sst s9;
	s0 =	simm.s32 @!p0 $0x0  }
0x12: {  	s1 =	sld [smem:$0x3F9D];
	s0 =	simm.s32 @p0 $0x1  }
0x13: {  	[smem:$0x3FB8] =	sst s0;
	s0 =	simm.s32 @!p1 $0x0  }
0x14: {  	s2 =	sld [smem:$0x3F9C];
	s0 =	simm.s32 @p1 $0x1  }
0x15: {  	[smem:$0x3FB9] =	sst s0;
	s0 =	simm.s32 @!p2 $0x0  }
0x16: {  	s3 =	sld [smem:$0x3FDB];
	s0 =	simm.s32 @p2 $0x1  }
0x17: {  	s4 =	simm.s32 $0x1BF5;
	[smem:$0x3FBB] =	sst s0  }
0x18: {  	s0 =	sld [smem:$0x3F9E];
	_ =	swait.ge [sflag:s4], $0x0  }
0x19: {  	s7 =	sld [smem:$0x3F9F]  }
0x1a: {  	s8 =	sadd.s32 $0xFFFFE003, lr  }
0x1b: {  	s9 =	sadd.s32 $0xFFFFFEF7, lr;
	s5 =	simm.s32 $0xFFFFFFFF;
	p2 =	slt.u32 s8, $0xFFFFF086  }
0x1c: {  	p1 =	slt.u32 s9, $0xF7A;
	s5 =	simm.s32 @!p2 $0x0  }
0x1d: {  	s5 =	simm.s32 @p1 $0x1;
	p0 =	seq.s32 s7, s2  }
0x1e: {  	s7 =	smul.u32 @!p0 $0xF7A, s2;
	p2 =	seq.s32 @!p0 s5, $0x0  }
0x1f: {  	s9 =	smul.u32 $0xF7A, s1;
	s8 =	simm.s32 @!p0 $0x1BF5;
	p2 =	por !p2, p0  }
0x20: {  	[sflag:s8] =	ssyncset.s32 @!p0 $0xFFFFF086;
	s6 =	sadd.s32 @!p0 s3, s7;
	s7 =	simm.s32 @!p0 $0x108  }
0x21: {  	s3 =	sadd.s32 s3, s9;
	s6 =	sadd.s32 @!p0 $0x88, s6;
	s7 =	simm.s32 @p2 $0x1082  }
0x22: {  	[simem:s7], [sflag:s8] =	dma.local @!p0 [hbm:s6], $0xF7A  }
0x23: {  	s9 =	sor.u32 $0xD0000000, s2;
	s6 =	simm.s32 $0x108;
	_ =	swait.ge @!p0 [sflag:s8], $0x0  }
0x24: {  	s3 =	sadd.s32 $0x88, s3;
	s6 =	simm.s32 @!p1 $0x1082;
	[sflag:s4] =	ssyncset.s32 $0xFFFFF086  }
0x25: {  	[simem:s6], [sflag:s4] =	dma.local [hbm:s3], $0xF7A  }
0x26: {  	[smem:$0x3F9F] =	sst s1;
	(tag) =	ssettag s2;
	_ =	strace s9  }
0x27: {  	s1 =	sld [smem:$0x3FAF]  }
0x28: {  	s2 =	sld [smem:$0x3FB0]  }
0x29: {  	s4 =	sld [smem:$0x3FB2]  }
0x2a: {  	p0 =	seq.s32 s5, $0x0;
	s5 =	sld [smem:$0x3FB3]  }
0x2b: {  	s6 =	sld [smem:$0x3FB4]  }
0x2c: {  	s7 =	sld [smem:$0x3FB5]  }
0x2d: {  	s3 =	simm.s32 $0x108;
	s8 =	sld [smem:$0x3FB6]  }
0x2e: {  	s3 =	simm.s32 @!p0 $0x1082;
	s9 =	sld [smem:$0x3FB7]  }
0x2f: {  	lr =	sadd.s32 s0, s3;
	s0 =	sld [smem:$0x3FAE]  }
0x30: {  	s3 =	sld [smem:$0x3FB1]  }
0x31: {  	[smem:$0x3FBA] =	sst s10  }
0x32: {  	s10 =	sld [smem:$0x3FB8];
	_ =	sdelay $0x3  }
0x33: {  	p0 =	seq.s32 s10, $0x1;
	s10 =	sld [smem:$0x3FBA];
	_ =	sdelay $0x3  }
0x34: {  	[smem:$0x3FBA] =	sst s10  }
0x35: {  	s10 =	sld [smem:$0x3FB9];
	_ =	sdelay $0x3  }
0x36: {  	p1 =	seq.s32 s10, $0x1;
	s10 =	sld [smem:$0x3FBA];
	_ =	sdelay $0x3  }
0x37: {  	[smem:$0x3FBA] =	sst s10  }
0x38: {  	s10 =	sld [smem:$0x3FBB]  }
0x39: {  	_ = 	snop;
	(pc) =	sbr.ind lr, $3  }
0x3a: {  	_ = 	snop  }
0x3b: {  	_ = 	snop  }
0x3c: {  	p2 =	seq.s32 s10, $0x1;
	s10 =	sld [smem:$0x3FBA]  }
0x3d: {  	_ =	shalt  }
0x3e: {  	_ =	shalt  }
0x3f: {  	_ =	shalt  }
0x40: {  	_ =	shalt  }
0x41: {  	_ =	shalt  }
0x42: {  	_ =	shalt  }
0x43: {  	_ =	shalt  }
0x44: {  	_ =	shalt  }
0x45: {  	_ =	shalt  }
0x46: {  	_ =	shalt  }
0x47: {  	_ =	shalt  }
0x48: {  	_ =	shalt  }
0x49: {  	_ =	shalt  }
0x4a: {  	_ =	shalt  }
0x4b: {  	_ =	shalt  }
0x4c: {  	_ =	shalt  }
0x4d: {  	_ =	shalt  }
0x4e: {  	_ =	shalt  }
0x4f: {  	_ =	shalt  }
0x50: {  	_ =	shalt  }
0x51: {  	_ =	shalt  }
0x52: {  	_ =	shalt  }
0x53: {  	_ =	shalt  }
0x54: {  	_ =	shalt  }
0x55: {  	_ =	shalt  }
0x56: {  	_ =	shalt  }
0x57: {  	_ =	shalt  }
0x58: {  	_ =	shalt  }
0x59: {  	_ =	shalt  }
0x5a: {  	_ =	shalt  }
0x5b: {  	_ =	shalt  }
0x5c: {  	_ =	shalt  }
0x5d: {  	_ =	shalt  }
0x5e: {  	_ =	shalt  }
0x5f: {  	_ =	shalt  }
0x60: {  	_ =	shalt  }
0x61: {  	_ =	shalt  }
0x62: {  	_ =	shalt  }
0x63: {  	_ =	shalt  }
0x64: {  	_ =	shalt  }
0x65: {  	_ =	shalt  }
0x66: {  	_ =	shalt  }
0x67: {  	_ =	shalt  }
0x68: {  	_ =	shalt  }
0x69: {  	_ =	shalt  }
0x6a: {  	_ =	shalt  }
0x6b: {  	_ =	shalt  }
0x6c: {  	_ =	shalt  }
0x6d: {  	_ =	shalt  }
0x6e: {  	_ =	shalt  }
0x6f: {  	_ =	shalt  }
0x70: {  	_ =	shalt  }
0x71: {  	_ =	shalt  }
0x72: {  	_ =	shalt  }
0x73: {  	_ =	shalt  }
0x74: {  	_ =	shalt  }
0x75: {  	_ =	shalt  }
0x76: {  	_ =	shalt  }
0x77: {  	_ =	shalt  }
0x78: {  	_ =	shalt  }
0x79: {  	_ =	shalt  }
0x7a: {  	_ =	shalt  }
0x7b: {  	_ =	shalt  }
0x7c: {  	_ =	shalt  }
0x7d: {  	_ =	shalt  }
0x7e: {  	_ =	shalt  }
0x7f: {  	_ =	shalt  }
0x80: {  	_ =	shalt  }
0x81: {  	_ =	shalt  }
0x82: {  	_ =	shalt  }
0x83: {  	_ =	shalt  }
0x84: {  	_ =	shalt  }
0x85: {  	_ =	shalt  }
0x86: {  	_ =	shalt  }
0x87: {  	_ =	shalt  }
.Lfunc_end0:
.L_simem_size_0:
called_computation_lowered:
.L_overlay_start_0:
0x88: {  	s2 =	sld [smem:$0x3FD9]  }
0x89: {  	s3 =	sld [smem:$0x3FFE];
	_ =	sdelay $0x1  }
0x8a: {  	s1 =	srdreg.scid  }
0x8b: {  	s0 =	sand.u32 $0x1, s1  }
0x8c: {  	s17 =	sshll.u32 s0, $0xA;
	s2 =	sadd.s32 s3, s2  }
0x8d: {  	s2 =	sadd.s32 s2, s17  }
0x8e: {  	[smem:$0x3FC6] =	sst s2  }
0x8f: {  	_ = 	snop  }
0x90: {  	s2 =	sld [smem:$0x3FD0];
	(tm) =	ssettm $0x1  }
0x91: {  	s18 =	sld [smem:$0x3FFB];
	_ =	sdelay $0x3  }
0x92: {  	_ =	strace s18  }
0x93: {  	s3 =	sld [smem:$0x3FFC];
	_ =	sdelay $0x3  }
0x94: {  	_ =	strace s3  }
0x95: {  	s3 =	sld [smem:$0x3FFD];
	_ =	sdelay $0x3  }
0x96: {  	_ =	strace s3  }
0x97: {  	_ =	strace $0x8FFFFFFF  }
0x98: {  	s19 =	sld [smem:$0x3FDB];
	_ =	sdelay $0x1  }
0x99: {  	s4 =	simm.s32 $_scs_section_size  }
0x9a: {  	s5 =	simm.s32 $_size__tile_overlayer_lowered;
	s6 =	simm.s32 $_tile_overlayer_lowered  }
0x9b: {  	s22 =	simm.s32 $0x1BFF;
	s21 =	sshll.u32 s6, $0x1;
	s3 =	sadd.s32 s4, s19  }
0x9c: {  	s7 =	simm.s32 $0x0;
	s20 =	sshll.u32 s5, $0x1;
	s5 =	sadd.s32 s21, s3  }
0x9d: {  	[timem:s7], [sflag:s22] =	dma.local [hbm:s5], s20  }
0x9e: {  	_ =	swait.ge [sflag:s22], s20  }
0x9f: {  	s4 =	ssub.s32 $0x0, s20;
	[sflag:s22] =	ssyncset.done $0x0  }
0xa0: {  	[sflag:s22] =	ssyncadd.s32 s4;
	_ =	sdelay $0x1  }
0xa1: {  	s23 =	simm.s32 $0x1B8B  }
0xa2: {  	_ =	swait.ge [sflag:s23], $0x1  }
0xa3: {  	[sflag:s23] =	ssyncset.done $0x0  }
0xa4: {  	s25 =	simm.s32 $0x1B8E;
	s24 =	sld [smem:$0x3FFE];
	[sflag:s23] =	ssyncadd.s32 $0xFFFFFFFF  }
0xa5: {  	s26 =	simm.s32 $execute0_lowered;
	[smem:$0x3FD2] =	sst s25  }
0xa6: {  	s5 =	sshll.u32 s26, $0x1;
	_ =	strace $0x80000046;
	[dreg:$0x1] =	wrdreg $0xFFFFFFFF  }
0xa7: {  	s28 =	simm.s32 $_size_execute0_lowered;
	s3 =	sadd.s32 s3, s5;
	[dreg:$0x0] =	wrdreg $0x0  }
0xa8: {  	s5 =	sshll.u32 s28, $0x1;
	[dreg:$0x2] =	wrdreg s3  }
0xa9: {  	[dreg:$0x3] =	wrdreg s5  }
0xaa: {  	[dreg:$0x4] =	wrdreg $0xC0  }
0xab: {  	_ =	task [dreg:s7], $0x5FFFF  }
0xac: {  	[dreg:$0x1] =	wrdreg $0xFFFFFFFF  }
0xad: {  	[dreg:$0x0] =	wrdreg $0x60  }
0xae: {  	[dreg:$0x2] =	wrdreg s24  }
0xaf: {  	[dreg:$0x3] =	wrdreg s2  }
0xb0: {  	[dreg:$0x4] =	wrdreg $0x9  }
0xb1: {  	_ =	task.clear_ibuf [dreg:s7], $0x5FFFF;
	_ =	strace $0x90000046  }
0xb2: {  	s29 =	simm.s32 $0x9;
	_ =	strace $0x80000048  }
0xb3: {  	_ =	swait.ge [sflag:s29], $0x1  }
0xb4: {  	[sflag:s29] =	ssyncadd.s32 $0xFFFFFFFF  }
0xb5: {  	_ =	strace $0x90000048  }
0xb6: {  	_ =	sfence  }
0xb7: {  	s30 =	sld [smem:$0x0];
	_ =	sdelay $0x2  }
0xb8: {  	s31 =	sshll.u32 s1, $0xD;
	s1 =	sshrl.u32 s1, $0x2  }
0xb9: {  	s3 =	sand.u32 $0x4000, s31;
	s1 =	sadd.s32 s1, s30  }
0xba: {  	s0 =	sor.u32 s3, s0;
	s1 =	sshll.u32 s1, $0x11  }
0xbb: {  	s0 =	sor.u32 s1, s0  }
0xbc: {  	s0 =	sadd.s32 $0x8F2B, s0  }
0xbd: {  	[sflag:s0] =	ssyncadd.remote.s32 $0x1  }
0xbe: {  	_ =	sfence.sel $0xFFFF  }
0xbf: {  	[dreg:$0x0] =	wrdreg $0xFFFFFFFF;
	(pc) =	sbr.abs _section_cstart, $3  }
0xc0: {  	[dreg:$0x1] =	wrdreg $0xFFFFFFFF  }
0xc1: {  	_ =	task.clear_ibuf [dreg:s7], $0x2FFFF;
	_ =	strace $0x9FFFFFFF  }
0xc2: {  	(tm) =	ssettm $0x7FFFFFFF  }
0xc3: {  	_ =	shalt  }
tec
execute0_lowered:
.L_overlay_start_1:
0x0: {  	(tag) =	ssettag $0x1  }
0x1: {  	s0 =	rddreg [dreg:$0x0];
	s1 =	srdreg.scid  }
0x2: {  	s3 =	stileid.u32;
	s2 =	rddreg [dreg:$0x1]  }
0x3: {  	s13 =	simm.s32 $0x1;
	s14 =	simm.s32 $0x200;
	s16 =	simm.s32 $0x3  }
0x4: {  	s17 =	simm.s32 $0x2;
	s18 =	simm.s32 $0x4400;
	s19 =	simm.s32 $0x8400  }
0x5: {  	s20 =	simm.s32 $0x4;
	s21 =	simm.s32 $0xC800;
	s22 =	simm.s32 $0x5  }
0x6: {  	v0 =	vlaneseq.u32;
	s23 =	simm.s32 $0x6;
	s1 =	sand.u32 $0x1, s1;
	s4 =	sshll.u32 s3, $0x1  }
0x7: {  	v16 =	vimm.s32 $0x0;
	vm0 =	vcmask $0x300;
	s24 =	simm.s32 $0x0;
	s3 =	simm.s32 $0x0;
	v0 =	vmul.u32 $0x88, v0;
	s7 =	sor.u32 s1, s4  }
0x8: {  	s5 =	sadd.s32 $0x600, s0;
	v16 =	vsel vm0, $0x3, v16;
	s1 =	ssub.s32 $0x2, s1;
	s10 =	smul.u32 $0x6400, s7  }
0x9: {  	s11 =	sadd.s32 $0x10600, s0;
	[smem:$0x7FF] =	sst s3;
	s6 =	sshrl.u32 s1, $0x1;
	v1 =	vor.u32 $0x1, v0;
	v2 =	vor.u32 $0x2, v0;
	v3 =	vor.u32 $0x3, v0  }
0xa: {  	s4 =	sadd.s32 $0xF42A00, s0;
	v4 =	vor.u32 $0x4, v0;
	v5 =	vor.u32 $0x5, v0;
	v6 =	vor.u32 $0x6, v0;
	s1 =	ssub.s32 s1, s6;
	s8 =	sshrl.u32 s10, $0x3  }
0xb: {  	_ =	strace $0x80000047;
	v7 =	vor.u32 $0x7, v0;
	v8 =	vadd.s32 $0x880, v0;
	v9 =	vadd.s32 $0x881, v0;
	s31 =	smax.u32 s1, $0x1;
	s6 =	sadd.s32 s2, s8  }
0xc: {  	s9 =	sshll.u32 s7, $0x4;
	v10 =	vadd.s32 $0x882, v0;
	v11 =	vadd.s32 $0x883, v0;
	v12 =	vadd.s32 $0x884, v0;
	[dreg:$0x4] =	wrdreg s31;
	s8 =	sadd.s32 $0x40, s6  }
0xd: {  	v13 =	vadd.s32 $0x885, v0;
	v14 =	vadd.s32 $0x886, v0;
	v15 =	vadd.s32 $0x887, v0;
	[dreg:$0x3] =	wrdreg s8;
	s8 =	sadd.s32 $0x400, s10;
	s10 =	sadd.s32 $0x600, s10  }
.LBB2_1:
0xe: {  	[tilespmem:s3], [sflag:$0x1] =	stream.linear.gather [hbm4b:s6+s3], $0x200, $0x38;
	[tilespmem:$0x10C00] =	vst v63  }
0xf: {  	_ =	swait.ge [sflag:s13], $0x200  }
0x10: {  	[sflag:s13] =	ssyncset.done $0x0  }
0x11: {  	s0 =	simm.s32 $0x400;
	[sflag:s13] =	ssyncadd.s32 $0xFFFFFE00  }
0x12: {  	[tilespmem:s0], [sflag:$0x3] =	stream.indirect.gather [hbm4b:s4+s14], $0x20, s3, s14, $0xb8;
	[tilespmem:$0x10C00] =	vst v63  }
0x13: {  	s25 =	simm.s32 $0x0;
	s31 =	rddreg [dreg:$0x3]  }
0x14: {  	[tilespmem:s14], [sflag:$0x2] =	stream.linear.gather [hbm4b:s31+s3], $0x200, $0x38;
	[tilespmem:$0x10C00] =	vst v63  }
.LBB2_2:
0x15: {  	_ =	swait.ge [sflag:s16], $0x4000  }
0x16: {  	p0 =	seq.s32 s25, $0x18;
	[sflag:s16] =	ssyncset.done $0x0  }
0x17: {  	p1 =	seq.s32 @!p0 s25, $0x0;
	[sflag:s16] =	ssyncadd.s32 $0xFFFFC000  }
0x18: {  	s26 =	sshll.u32 @!p0 s25, $0xA;
	p1 =	por p0, !p1;
	_ =	swait.ge [sflag:s17], $0x200  }
.Ltmp0:
0x19: {  	s0 =	sadd.s32 @!p0 s26, s8;
	[sflag:s17] =	ssyncset.done $0x0;
	(pc) =	sbr.rel @!p1 .LBB2_3-.Ltmp0, $4  }
0x1a: {  	s0 =	sshrl.u32 @!p0 s0, $0x3;
	[sflag:s17] =	ssyncadd.s32 $0xFFFFFE00  }
0x1b: {  	[tilespmem:s18], [sflag:$0x4] =	stream.indirect.gather [hbm4b:s4+s14], $0x20, s14, s14, $0xb8;
	[tilespmem:$0x10C00] =	vst v63  }
0x1c: {  	s1 =	simm.s32 @!p0 $0x0;
	s0 =	sadd.s32 @!p0 s2, s0  }
0x1d: {  	[tilespmem:s1], [sflag:$0x1] =	stream.linear.gather @!p0 [hbm4b:s0+s1], $0x200, $0x38;
	[tilespmem:$0x10C00] =	vst v63  }
.Ltmp1:
0x1e: {  	(pc) =	sbr.rel .LBB2_5-.Ltmp1, $4  }
0x1f: {  	_ = 	snop  }
0x20: {  	_ =	swait.ge [sflag:s22], $0x4000  }
0x21: {  	[sflag:s22] =	ssyncset.done $0x0  }
0x22: {  	p1 =	por $0x0, $0x0;
	[sflag:s22] =	ssyncadd.s32 $0xFFFFC000  }
.LBB2_3:
0x23: {  	p1 =	por @!p0 $0x1, $0x1  }
.LBB2_5:
0x24: {  	s28 =	sshll.u32 s25, $0x11  }
0x25: {  	s29 =	simm.s32 $0x0;
	s15 =	simm.s32 $0x480;
	s31 =	simm.s32 $0x0  }
.LBB2_6:
0x26: {  	v17 =	vmov s31  }
0x27: {  	v18 =	vmov s29;
	v17 =	vmul.u32 $0x1100, v17  }
0x28: {  	v18 =	vshrl.u32 v18, $0x3  }
0x29: {  	v32 =	vbroadcast v17, $0x0;
	v17 =	vshll.u32 v18, v16  }
0x2a: {  	v19 =	vbroadcast v17, $0x0  }
0x2b: {  	v18 =	vadd.s32 v0, v32  }
0x2c: {  	v20 =	vld [tilespmem:s15+$0xFFFFFF80];
	v17 =	vadd.s32 v8, v32;
	v21 =	vadd.s32 v18, v19  }
0x2d: {  	v22 =	vld [tilespmem:s15+$0xFFFFFF90];
	s0 =	simm.s32 $0x1;
	v23 =	vadd.s32 v17, v19  }
0x2e: {  	v19 =	vmov s0  }
0x2f: {  	v19 =	vshrl.u32 v19, $0x3  }
0x30: {  	v19 =	vshll.u32 v19, v16  }
0x31: {  	[tilespmem:v21+s19+$0x0] =	vst.idx.msk $0xffff, v20;
	v21 =	vbroadcast v19, $0x0  }
0x32: {  	v19 =	vadd.s32 v1, v32;
	[tilespmem:v23+s19+$0x0] =	vst.idx.msk $0xffff, v22  }
0x33: {  	v20 =	vadd.s32 v9, v32;
	v22 =	vld [tilespmem:s15+$0xFFFFFFA0];
	v23 =	vadd.s32 v19, v21  }
0x34: {  	s1 =	simm.s32 $0x2;
	v24 =	vld [tilespmem:s15+$0xFFFFFFB0];
	v25 =	vadd.s32 v20, v21  }
0x35: {  	v21 =	vmov s1  }
0x36: {  	v21 =	vshrl.u32 v21, $0x3  }
0x37: {  	v21 =	vshll.u32 v21, v16  }
0x38: {  	[tilespmem:v23+s19+$0x0] =	vst.idx.msk $0xffff, v22;
	v23 =	vbroadcast v21, $0x0  }
0x39: {  	v21 =	vadd.s32 v2, v32;
	[tilespmem:v25+s19+$0x0] =	vst.idx.msk $0xffff, v24  }
0x3a: {  	v22 =	vadd.s32 v10, v32;
	v24 =	vld [tilespmem:s15+$0xFFFFFFC0];
	v25 =	vadd.s32 v21, v23  }
0x3b: {  	s7 =	simm.s32 $0x3;
	v26 =	vld [tilespmem:s15+$0xFFFFFFD0];
	v27 =	vadd.s32 v22, v23  }
0x3c: {  	v23 =	vmov s7  }
0x3d: {  	v23 =	vshrl.u32 v23, $0x3  }
0x3e: {  	v23 =	vshll.u32 v23, v16  }
0x3f: {  	[tilespmem:v25+s19+$0x0] =	vst.idx.msk $0xffff, v24;
	v25 =	vbroadcast v23, $0x0  }
0x40: {  	v23 =	vadd.s32 v3, v32;
	[tilespmem:v27+s19+$0x0] =	vst.idx.msk $0xffff, v26  }
0x41: {  	v24 =	vadd.s32 v11, v32;
	v26 =	vld [tilespmem:s15+$0xFFFFFFE0];
	v27 =	vadd.s32 v23, v25  }
0x42: {  	s12 =	simm.s32 $0x4;
	v28 =	vld [tilespmem:s15+$0xFFFFFFF0];
	v29 =	vadd.s32 v24, v25  }
0x43: {  	v25 =	vmov s12  }
0x44: {  	v25 =	vshrl.u32 v25, $0x3  }
0x45: {  	v25 =	vshll.u32 v25, v16  }
0x46: {  	[tilespmem:v27+s19+$0x0] =	vst.idx.msk $0xffff, v26;
	v27 =	vbroadcast v25, $0x0  }
0x47: {  	v25 =	vadd.s32 v4, v32;
	[tilespmem:v29+s19+$0x0] =	vst.idx.msk $0xffff, v28  }
0x48: {  	v26 =	vadd.s32 v12, v32;
	v28 =	vld [tilespmem:s15+$0x0];
	v29 =	vadd.s32 v25, v27  }
0x49: {  	s1 =	simm.s32 $0x5;
	v30 =	vld [tilespmem:s15+$0x10];
	v31 =	vadd.s32 v26, v27  }
0x4a: {  	v27 =	vmov s1  }
0x4b: {  	v27 =	vshrl.u32 v27, $0x3  }
0x4c: {  	v27 =	vshll.u32 v27, v16  }
0x4d: {  	[tilespmem:v29+s19+$0x0] =	vst.idx.msk $0xffff, v28;
	v29 =	vbroadcast v27, $0x0  }
0x4e: {  	v27 =	vadd.s32 v5, v32;
	[tilespmem:v31+s19+$0x0] =	vst.idx.msk $0xffff, v30  }
0x4f: {  	v28 =	vadd.s32 v13, v32;
	v30 =	vld [tilespmem:s15+$0x20];
	v31 =	vadd.s32 v27, v29  }
0x50: {  	s7 =	simm.s32 $0x6;
	v33 =	vld [tilespmem:s15+$0x30];
	v34 =	vadd.s32 v28, v29  }
0x51: {  	v29 =	vmov s7  }
0x52: {  	v29 =	vshrl.u32 v29, $0x3  }
0x53: {  	v29 =	vshll.u32 v29, v16  }
0x54: {  	[tilespmem:v31+s19+$0x0] =	vst.idx.msk $0xffff, v30;
	v31 =	vbroadcast v29, $0x0  }
0x55: {  	v29 =	vadd.s32 v6, v32;
	[tilespmem:v34+s19+$0x0] =	vst.idx.msk $0xffff, v33  }
0x56: {  	v30 =	vadd.s32 v14, v32;
	v33 =	vld [tilespmem:s15+$0x40];
	v60 =	vadd.s32 v29, v31  }
0x57: {  	s12 =	simm.s32 $0x7;
	v35 =	vld [tilespmem:s15+$0x50];
	v36 =	vadd.s32 v30, v31  }
0x58: {  	v31 =	vmov s12  }
0x59: {  	v31 =	vshrl.u32 v31, $0x3  }
0x5a: {  	v31 =	vshll.u32 v31, v16  }
0x5b: {  	v61 =	vbroadcast v31, $0x0;
	[tilespmem:v60+s19+$0x0] =	vst.idx.msk $0xffff, v33  }
0x5c: {  	v31 =	vadd.s32 v7, v32;
	[tilespmem:v36+s19+$0x0] =	vst.idx.msk $0xffff, v35  }
0x5d: {  	v37 =	vadd.s32 v31, v61;
	v36 =	vld [tilespmem:s15+$0x60]  }
0x5e: {  	s1 =	simm.s32 $0x8;
	v32 =	vadd.s32 v15, v32  }
0x5f: {  	v62 =	vmov s1;
	v35 =	vadd.s32 v32, v61;
	v34 =	vld [tilespmem:s15+$0x70]  }
0x60: {  	v63 =	vshrl.u32 v62, $0x3  }
0x61: {  	v38 =	vshll.u32 v63, v16  }
0x62: {  	s30 =	smov.u32 s15;
	s0 =	simm.s32 $0x10;
	v33 =	vbroadcast v38, $0x0;
	[tilespmem:v37+s19+$0x0] =	vst.idx.msk $0xffff, v36  }
.LBB2_7:
0x63: {  	p2 =	slt.u32 s0, $0x78  }
0x64: {  	[tilespmem:v35+s19+$0x0] =	vst.idx.msk $0xffff, v34;
	s30 =	sadd.s32 $0x100, s30;
	s7 =	smov.u32 s0;
	s0 =	sadd.s32 $0x8, s0  }
0x65: {  	v34 =	vld [tilespmem:s30+$0xFFFFFF80];
	v35 =	vadd.s32 v18, v33  }
0x66: {  	s12 =	sadd.s32 $0x1, s1;
	v33 =	vadd.s32 v17, v33;
	v36 =	vld [tilespmem:s30+$0xFFFFFF90]  }
0x67: {  	v37 =	vmov s12  }
0x68: {  	v37 =	vshrl.u32 v37, $0x3  }
0x69: {  	v37 =	vshll.u32 v37, v16  }
0x6a: {  	[tilespmem:v35+s19+$0x0] =	vst.idx.msk $0xffff, v34;
	v34 =	vbroadcast v37, $0x0  }
0x6b: {  	[tilespmem:v33+s19+$0x0] =	vst.idx.msk $0xffff, v36  }
0x6c: {  	v33 =	vld [tilespmem:s30+$0xFFFFFFA0];
	v35 =	vadd.s32 v19, v34  }
0x6d: {  	s12 =	sadd.s32 $0x2, s1;
	v34 =	vadd.s32 v20, v34;
	v36 =	vld [tilespmem:s30+$0xFFFFFFB0]  }
0x6e: {  	v37 =	vmov s12  }
0x6f: {  	v37 =	vshrl.u32 v37, $0x3  }
0x70: {  	v37 =	vshll.u32 v37, v16  }
0x71: {  	[tilespmem:v35+s19+$0x0] =	vst.idx.msk $0xffff, v33;
	v33 =	vbroadcast v37, $0x0  }
0x72: {  	[tilespmem:v34+s19+$0x0] =	vst.idx.msk $0xffff, v36  }
0x73: {  	v34 =	vld [tilespmem:s30+$0xFFFFFFC0];
	v35 =	vadd.s32 v21, v33  }
0x74: {  	s12 =	sadd.s32 $0x3, s1;
	v33 =	vadd.s32 v22, v33;
	v36 =	vld [tilespmem:s30+$0xFFFFFFD0]  }
0x75: {  	v37 =	vmov s12  }
0x76: {  	v37 =	vshrl.u32 v37, $0x3  }
0x77: {  	v37 =	vshll.u32 v37, v16  }
0x78: {  	[tilespmem:v35+s19+$0x0] =	vst.idx.msk $0xffff, v34;
	v34 =	vbroadcast v37, $0x0  }
0x79: {  	[tilespmem:v33+s19+$0x0] =	vst.idx.msk $0xffff, v36  }
0x7a: {  	v33 =	vld [tilespmem:s30+$0xFFFFFFE0];
	v35 =	vadd.s32 v23, v34  }
0x7b: {  	s12 =	sadd.s32 $0x4, s1;
	v34 =	vadd.s32 v24, v34;
	v36 =	vld [tilespmem:s30+$0xFFFFFFF0]  }
0x7c: {  	v37 =	vmov s12  }
0x7d: {  	v37 =	vshrl.u32 v37, $0x3  }
0x7e: {  	v37 =	vshll.u32 v37, v16  }
0x7f: {  	[tilespmem:v35+s19+$0x0] =	vst.idx.msk $0xffff, v33;
	v33 =	vbroadcast v37, $0x0  }
0x80: {  	[tilespmem:v34+s19+$0x0] =	vst.idx.msk $0xffff, v36  }
0x81: {  	v34 =	vld [tilespmem:s30+$0x0];
	v35 =	vadd.s32 v25, v33  }
0x82: {  	s12 =	sadd.s32 $0x5, s1;
	v33 =	vadd.s32 v26, v33;
	v36 =	vld [tilespmem:s30+$0x10]  }
0x83: {  	v37 =	vmov s12  }
0x84: {  	v37 =	vshrl.u32 v37, $0x3  }
0x85: {  	v37 =	vshll.u32 v37, v16  }
0x86: {  	[tilespmem:v35+s19+$0x0] =	vst.idx.msk $0xffff, v34;
	v34 =	vbroadcast v37, $0x0  }
0x87: {  	[tilespmem:v33+s19+$0x0] =	vst.idx.msk $0xffff, v36  }
0x88: {  	v33 =	vld [tilespmem:s30+$0x20];
	v35 =	vadd.s32 v27, v34  }
0x89: {  	s12 =	sadd.s32 $0x6, s1;
	v34 =	vadd.s32 v28, v34;
	v36 =	vld [tilespmem:s30+$0x30]  }
0x8a: {  	v37 =	vmov s12  }
0x8b: {  	v37 =	vshrl.u32 v37, $0x3  }
0x8c: {  	v37 =	vshll.u32 v37, v16  }
0x8d: {  	[tilespmem:v35+s19+$0x0] =	vst.idx.msk $0xffff, v33;
	v33 =	vbroadcast v37, $0x0  }
0x8e: {  	[tilespmem:v34+s19+$0x0] =	vst.idx.msk $0xffff, v36  }
0x8f: {  	v34 =	vld [tilespmem:s30+$0x40];
	v35 =	vadd.s32 v29, v33  }
0x90: {  	s12 =	sadd.s32 $0x7, s1;
	s1 =	smov.u32 s7;
	v33 =	vadd.s32 v30, v33;
	v36 =	vld [tilespmem:s30+$0x50]  }
0x91: {  	v37 =	vmov s12  }
0x92: {  	v37 =	vshrl.u32 v37, $0x3  }
0x93: {  	v37 =	vshll.u32 v37, v16  }
0x94: {  	[tilespmem:v35+s19+$0x0] =	vst.idx.msk $0xffff, v34;
	v35 =	vbroadcast v37, $0x0  }
0x95: {  	[tilespmem:v33+s19+$0x0] =	vst.idx.msk $0xffff, v36  }
0x96: {  	v36 =	vld [tilespmem:s30+$0x60];
	v37 =	vadd.s32 v31, v35  }
.Ltmp2:
0x97: {  	v35 =	vadd.s32 v32, v35;
	v34 =	vld [tilespmem:s30+$0x70];
	(pc) =	sbr.rel @p2 .LBB2_7-.Ltmp2, $4  }
0x98: {  	v33 =	vmov s1  }
0x99: {  	v33 =	vshrl.u32 v33, $0x3  }
0x9a: {  	v33 =	vshll.u32 v33, v16  }
0x9b: {  	v33 =	vbroadcast v33, $0x0;
	[tilespmem:v37+s19+$0x0] =	vst.idx.msk $0xffff, v36  }
0x9c: {  	_ =	sdelay $0x3  }
0x9d: {  	[tilespmem:v35+s19+$0x0] =	vst.idx.msk $0xffff, v34;
	s0 =	sadd.s32 $0x100, s30  }
0x9e: {  	v34 =	vld [tilespmem:s0+$0xFFFFFF80];
	v18 =	vadd.s32 v18, v33  }
0x9f: {  	s7 =	sadd.s32 $0x1, s1;
	v35 =	vld [tilespmem:s0+$0xFFFFFF90];
	v17 =	vadd.s32 v17, v33  }
0xa0: {  	v55 =	vmov s7  }
0xa1: {  	v33 =	vshrl.u32 v55, $0x3  }
0xa2: {  	v33 =	vshll.u32 v33, v16  }
0xa3: {  	[tilespmem:v18+s19+$0x0] =	vst.idx.msk $0xffff, v34;
	v18 =	vbroadcast v33, $0x0  }
0xa4: {  	[tilespmem:v17+s19+$0x0] =	vst.idx.msk $0xffff, v35  }
0xa5: {  	v17 =	vld [tilespmem:s0+$0xFFFFFFA0];
	v19 =	vadd.s32 v19, v18  }
0xa6: {  	s12 =	sadd.s32 $0x2, s1;
	v56 =	vld [tilespmem:s0+$0xFFFFFFB0];
	v18 =	vadd.s32 v20, v18  }
0xa7: {  	v57 =	vmov s12  }
0xa8: {  	v20 =	vshrl.u32 v57, $0x3  }
0xa9: {  	v20 =	vshll.u32 v20, v16  }
0xaa: {  	[tilespmem:v19+s19+$0x0] =	vst.idx.msk $0xffff, v17;
	v17 =	vbroadcast v20, $0x0  }
0xab: {  	[tilespmem:v18+s19+$0x0] =	vst.idx.msk $0xffff, v56  }
0xac: {  	v18 =	vld [tilespmem:s0+$0xFFFFFFC0];
	v19 =	vadd.s32 v21, v17  }
0xad: {  	s30 =	sadd.s32 $0x3, s1;
	v58 =	vld [tilespmem:s0+$0xFFFFFFD0];
	v17 =	vadd.s32 v22, v17  }
0xae: {  	v59 =	vmov s30  }
0xaf: {  	v21 =	vshrl.u32 v59, $0x3  }
0xb0: {  	v21 =	vshll.u32 v21, v16  }
0xb1: {  	[tilespmem:v19+s19+$0x0] =	vst.idx.msk $0xffff, v18;
	v18 =	vbroadcast v21, $0x0  }
0xb2: {  	[tilespmem:v17+s19+$0x0] =	vst.idx.msk $0xffff, v58  }
0xb3: {  	v17 =	vld [tilespmem:s0+$0xFFFFFFE0];
	v19 =	vadd.s32 v23, v18  }
0xb4: {  	s12 =	sadd.s32 $0x4, s1;
	v20 =	vld [tilespmem:s0+$0xFFFFFFF0];
	v18 =	vadd.s32 v24, v18  }
0xb5: {  	v60 =	vmov s12  }
0xb6: {  	v21 =	vshrl.u32 v60, $0x3  }
0xb7: {  	v21 =	vshll.u32 v21, v16  }
0xb8: {  	[tilespmem:v19+s19+$0x0] =	vst.idx.msk $0xffff, v17;
	v17 =	vbroadcast v21, $0x0  }
0xb9: {  	[tilespmem:v18+s19+$0x0] =	vst.idx.msk $0xffff, v20  }
0xba: {  	v18 =	vld [tilespmem:s0+$0x0];
	v19 =	vadd.s32 v25, v17  }
0xbb: {  	s30 =	sadd.s32 $0x5, s1;
	v20 =	vld [tilespmem:s0+$0x10];
	v17 =	vadd.s32 v26, v17  }
0xbc: {  	v61 =	vmov s30  }
0xbd: {  	v21 =	vshrl.u32 v61, $0x3  }
0xbe: {  	v21 =	vshll.u32 v21, v16  }
0xbf: {  	[tilespmem:v19+s19+$0x0] =	vst.idx.msk $0xffff, v18;
	v18 =	vbroadcast v21, $0x0  }
0xc0: {  	[tilespmem:v17+s19+$0x0] =	vst.idx.msk $0xffff, v20  }
0xc1: {  	v17 =	vld [tilespmem:s0+$0x20];
	v19 =	vadd.s32 v27, v18  }
0xc2: {  	s12 =	sadd.s32 $0x6, s1;
	v20 =	vld [tilespmem:s0+$0x30];
	v18 =	vadd.s32 v28, v18  }
0xc3: {  	v62 =	vmov s12  }
0xc4: {  	v21 =	vshrl.u32 v62, $0x3  }
0xc5: {  	v21 =	vshll.u32 v21, v16  }
0xc6: {  	[tilespmem:v19+s19+$0x0] =	vst.idx.msk $0xffff, v17;
	v17 =	vbroadcast v21, $0x0  }
0xc7: {  	[tilespmem:v18+s19+$0x0] =	vst.idx.msk $0xffff, v20  }
0xc8: {  	v18 =	vld [tilespmem:s0+$0x40];
	v19 =	vadd.s32 v29, v17  }
0xc9: {  	s30 =	sadd.s32 $0x7, s1;
	v20 =	vld [tilespmem:s0+$0x50];
	v17 =	vadd.s32 v30, v17  }
0xca: {  	v63 =	vmov s30  }
0xcb: {  	v21 =	vshrl.u32 v63, $0x3  }
0xcc: {  	v21 =	vshll.u32 v21, v16  }
0xcd: {  	[tilespmem:v19+s19+$0x0] =	vst.idx.msk $0xffff, v18;
	v18 =	vbroadcast v21, $0x0  }
0xce: {  	[tilespmem:v17+s19+$0x0] =	vst.idx.msk $0xffff, v20  }
0xcf: {  	s31 =	sadd.s32 $0x1, s31;
	v17 =	vld [tilespmem:s0+$0x60];
	v19 =	vadd.s32 v31, v18  }
0xd0: {  	p2 =	sne.s32 s31, $0x4;
	v20 =	vld [tilespmem:s0+$0x70];
	v18 =	vadd.s32 v32, v18  }
.Ltmp3:
0xd1: {  	_ = 	snop;
	(pc) =	sbr.rel @p2 .LBB2_6-.Ltmp3, $3  }
0xd2: {  	_ =	sdelay $0x1  }
0xd3: {  	[tilespmem:v19+s19+$0x0] =	vst.idx.msk $0xffff, v17  }
0xd4: {  	s15 =	sadd.s32 $0x1000, s15;
	[tilespmem:v18+s19+$0x0] =	vst.idx.msk $0xffff, v20  }
0xd5: {  	s28 =	sor.u32 s9, s28  }
0xd6: {  	s1 =	simm.s32 $0x8400;
	s0 =	sadd.s32 s5, s28  }
0xd7: {  	s7 =	simm.s32 $0x200;
	s15 =	simm.s32 $0x8488;
	s29 =	sadd.s32 $0x0, s0  }
.LBB2_10:
0xd8: {  	[hbm4b:s29+s3] =	stream.linear.scatter [tilespmem:s1], [sflag:$0x5], $0x80, $0x38;
	[tilespmem:$0x10C00] =	vst v63  }
0xd9: {  	s12 =	smov.u32 s7;
	s1 =	smov.u32 s15;
	p2 =	sne.s32 s7, $0xFE00  }
.Ltmp4:
0xda: {  	s7 =	sadd.s32 $0x200, s7;
	(pc) =	sbr.rel @p2 .LBB2_10-.Ltmp4, $2  }
0xdb: {  	_ =	sdelay $0x2  }
0xdc: {  	s15 =	sadd.s32 $0x88, s15;
	s29 =	sadd.s32 s12, s0  }
0xdd: {  	[hbm4b:s29+s3] =	stream.linear.scatter [tilespmem:s1], [sflag:$0x5], $0x80, $0x38;
	[tilespmem:$0x10C00] =	vst v63  }
0xde: {  	_ =	swait.ge [sflag:s20], $0x4000  }
0xdf: {  	[sflag:s20] =	ssyncset.done $0x0  }
0xe0: {  	s0 =	simm.s32 @!p0 $0x1;
	[sflag:s20] =	ssyncadd.s32 $0xFFFFC000  }
0xe1: {  	_ =	swait.ge @!p0 [sflag:s0], $0x200  }
0xe2: {  	s1 =	simm.s32 @!p0 $0x0;
	[sflag:s0] =	ssyncset.done @!p0 $0x0  }
0xe3: {  	s7 =	simm.s32 @!p0 $0x400;
	[sflag:s0] =	ssyncadd.s32 @!p0 $0xFFFFFE00;
	s0 =	simm.s32 @!p0 $0x200  }
0xe4: {  	[tilespmem:s7], [sflag:$0x3] =	stream.indirect.gather @!p0 [hbm4b:s4+s0], $0x20, s1, s0, $0xb8;
	[tilespmem:$0x10C00] =	vst v63  }
0xe5: {  	s7 =	sadd.s32 @!p0 s26, s10  }
0xe6: {  	s7 =	sshrl.u32 @!p0 s7, $0x3  }
0xe7: {  	s7 =	sadd.s32 @!p0 s2, s7  }
0xe8: {  	[tilespmem:s0], [sflag:$0x2] =	stream.linear.gather @!p0 [hbm4b:s7+s1], $0x200, $0x38;
	[tilespmem:$0x10C00] =	vst v63  }
0xe9: {  	s0 =	simm.s32 @!p1 $0x6  }
0xea: {  	_ =	swait.ge @!p1 [sflag:s0], $0x4000  }
0xeb: {  	s29 =	simm.s32 $0x4480;
	[sflag:s0] =	ssyncset.done @!p1 $0x0  }
0xec: {  	s30 =	simm.s32 $0x0;
	s26 =	simm.s32 $0x0;
	[sflag:s0] =	ssyncadd.s32 @!p1 $0xFFFFC000  }
.LBB2_12:
0xed: {  	v17 =	vmov s30  }
0xee: {  	v18 =	vmov s26;
	v17 =	vmul.u32 $0x1100, v17  }
0xef: {  	v18 =	vshrl.u32 v18, $0x3  }
0xf0: {  	v32 =	vbroadcast v17, $0x0;
	v17 =	vshll.u32 v18, v16  }
0xf1: {  	v19 =	vbroadcast v17, $0x0  }
0xf2: {  	v18 =	vadd.s32 v0, v32  }
0xf3: {  	v20 =	vld [tilespmem:s29+$0xFFFFFF80];
	v17 =	vadd.s32 v8, v32;
	v21 =	vadd.s32 v18, v19  }
0xf4: {  	v22 =	vld [tilespmem:s29+$0xFFFFFF90];
	s0 =	simm.s32 $0x1;
	v23 =	vadd.s32 v17, v19  }
0xf5: {  	v19 =	vmov s0  }
0xf6: {  	v19 =	vshrl.u32 v19, $0x3  }
0xf7: {  	v19 =	vshll.u32 v19, v16  }
0xf8: {  	[tilespmem:v21+s21+$0x0] =	vst.idx.msk $0xffff, v20;
	v21 =	vbroadcast v19, $0x0  }
0xf9: {  	v19 =	vadd.s32 v1, v32;
	[tilespmem:v23+s21+$0x0] =	vst.idx.msk $0xffff, v22  }
0xfa: {  	v20 =	vadd.s32 v9, v32;
	v22 =	vld [tilespmem:s29+$0xFFFFFFA0];
	v23 =	vadd.s32 v19, v21  }
0xfb: {  	s31 =	simm.s32 $0x2;
	v24 =	vld [tilespmem:s29+$0xFFFFFFB0];
	v25 =	vadd.s32 v20, v21  }
0xfc: {  	v21 =	vmov s31  }
0xfd: {  	v21 =	vshrl.u32 v21, $0x3  }
0xfe: {  	v21 =	vshll.u32 v21, v16  }
0xff: {  	[tilespmem:v23+s21+$0x0] =	vst.idx.msk $0xffff, v22;
	v23 =	vbroadcast v21, $0x0  }
0x100: {  	v21 =	vadd.s32 v2, v32;
	[tilespmem:v25+s21+$0x0] =	vst.idx.msk $0xffff, v24  }
0x101: {  	v22 =	vadd.s32 v10, v32;
	v24 =	vld [tilespmem:s29+$0xFFFFFFC0];
	v25 =	vadd.s32 v21, v23  }
0x102: {  	s1 =	simm.s32 $0x3;
	v26 =	vld [tilespmem:s29+$0xFFFFFFD0];
	v27 =	vadd.s32 v22, v23  }
0x103: {  	v23 =	vmov s1  }
0x104: {  	v23 =	vshrl.u32 v23, $0x3  }
0x105: {  	v23 =	vshll.u32 v23, v16  }
0x106: {  	[tilespmem:v25+s21+$0x0] =	vst.idx.msk $0xffff, v24;
	v25 =	vbroadcast v23, $0x0  }
0x107: {  	v23 =	vadd.s32 v3, v32;
	[tilespmem:v27+s21+$0x0] =	vst.idx.msk $0xffff, v26  }
0x108: {  	v24 =	vadd.s32 v11, v32;
	v26 =	vld [tilespmem:s29+$0xFFFFFFE0];
	v27 =	vadd.s32 v23, v25  }
0x109: {  	s7 =	simm.s32 $0x4;
	v28 =	vld [tilespmem:s29+$0xFFFFFFF0];
	v29 =	vadd.s32 v24, v25  }
0x10a: {  	v25 =	vmov s7  }
0x10b: {  	v25 =	vshrl.u32 v25, $0x3  }
0x10c: {  	v25 =	vshll.u32 v25, v16  }
0x10d: {  	[tilespmem:v27+s21+$0x0] =	vst.idx.msk $0xffff, v26;
	v27 =	vbroadcast v25, $0x0  }
0x10e: {  	v25 =	vadd.s32 v4, v32;
	[tilespmem:v29+s21+$0x0] =	vst.idx.msk $0xffff, v28  }
0x10f: {  	v26 =	vadd.s32 v12, v32;
	v28 =	vld [tilespmem:s29+$0x0];
	v29 =	vadd.s32 v25, v27  }
0x110: {  	s12 =	simm.s32 $0x5;
	v30 =	vld [tilespmem:s29+$0x10];
	v31 =	vadd.s32 v26, v27  }
0x111: {  	v27 =	vmov s12  }
0x112: {  	v27 =	vshrl.u32 v27, $0x3  }
0x113: {  	v27 =	vshll.u32 v27, v16  }
0x114: {  	[tilespmem:v29+s21+$0x0] =	vst.idx.msk $0xffff, v28;
	v29 =	vbroadcast v27, $0x0  }
0x115: {  	v27 =	vadd.s32 v5, v32;
	[tilespmem:v31+s21+$0x0] =	vst.idx.msk $0xffff, v30  }
0x116: {  	v28 =	vadd.s32 v13, v32;
	v30 =	vld [tilespmem:s29+$0x20];
	v31 =	vadd.s32 v27, v29  }
0x117: {  	s15 =	simm.s32 $0x6;
	v33 =	vld [tilespmem:s29+$0x30];
	v34 =	vadd.s32 v28, v29  }
0x118: {  	v29 =	vmov s15  }
0x119: {  	v29 =	vshrl.u32 v29, $0x3  }
0x11a: {  	v29 =	vshll.u32 v29, v16  }
0x11b: {  	[tilespmem:v31+s21+$0x0] =	vst.idx.msk $0xffff, v30;
	v31 =	vbroadcast v29, $0x0  }
0x11c: {  	v29 =	vadd.s32 v6, v32;
	[tilespmem:v34+s21+$0x0] =	vst.idx.msk $0xffff, v33  }
0x11d: {  	v30 =	vadd.s32 v14, v32;
	v33 =	vld [tilespmem:s29+$0x40];
	v60 =	vadd.s32 v29, v31  }
0x11e: {  	s31 =	simm.s32 $0x7;
	v35 =	vld [tilespmem:s29+$0x50];
	v36 =	vadd.s32 v30, v31  }
0x11f: {  	v31 =	vmov s31  }
0x120: {  	v31 =	vshrl.u32 v31, $0x3  }
0x121: {  	v31 =	vshll.u32 v31, v16  }
0x122: {  	v61 =	vbroadcast v31, $0x0;
	[tilespmem:v60+s21+$0x0] =	vst.idx.msk $0xffff, v33  }
0x123: {  	v31 =	vadd.s32 v7, v32;
	[tilespmem:v36+s21+$0x0] =	vst.idx.msk $0xffff, v35  }
0x124: {  	v37 =	vadd.s32 v31, v61;
	v36 =	vld [tilespmem:s29+$0x60]  }
0x125: {  	s1 =	simm.s32 $0x8;
	v32 =	vadd.s32 v15, v32  }
0x126: {  	v62 =	vmov s1;
	v35 =	vadd.s32 v32, v61;
	v34 =	vld [tilespmem:s29+$0x70]  }
0x127: {  	v63 =	vshrl.u32 v62, $0x3  }
0x128: {  	v38 =	vshll.u32 v63, v16  }
0x129: {  	s0 =	simm.s32 $0x10;
	s15 =	smov.u32 s29;
	v33 =	vbroadcast v38, $0x0;
	[tilespmem:v37+s21+$0x0] =	vst.idx.msk $0xffff, v36  }
.LBB2_13:
0x12a: {  	p0 =	slt.u32 s0, $0x78  }
0x12b: {  	[tilespmem:v35+s21+$0x0] =	vst.idx.msk $0xffff, v34;
	s15 =	sadd.s32 $0x100, s15;
	s7 =	smov.u32 s0;
	s0 =	sadd.s32 $0x8, s0  }
0x12c: {  	v34 =	vld [tilespmem:s15+$0xFFFFFF80];
	v35 =	vadd.s32 v18, v33  }
0x12d: {  	s12 =	sadd.s32 $0x1, s1;
	v33 =	vadd.s32 v17, v33;
	v36 =	vld [tilespmem:s15+$0xFFFFFF90]  }
0x12e: {  	v37 =	vmov s12  }
0x12f: {  	v37 =	vshrl.u32 v37, $0x3  }
0x130: {  	v37 =	vshll.u32 v37, v16  }
0x131: {  	[tilespmem:v35+s21+$0x0] =	vst.idx.msk $0xffff, v34;
	v34 =	vbroadcast v37, $0x0  }
0x132: {  	[tilespmem:v33+s21+$0x0] =	vst.idx.msk $0xffff, v36  }
0x133: {  	v33 =	vld [tilespmem:s15+$0xFFFFFFA0];
	v35 =	vadd.s32 v19, v34  }
0x134: {  	s12 =	sadd.s32 $0x2, s1;
	v34 =	vadd.s32 v20, v34;
	v36 =	vld [tilespmem:s15+$0xFFFFFFB0]  }
0x135: {  	v37 =	vmov s12  }
0x136: {  	v37 =	vshrl.u32 v37, $0x3  }
0x137: {  	v37 =	vshll.u32 v37, v16  }
0x138: {  	[tilespmem:v35+s21+$0x0] =	vst.idx.msk $0xffff, v33;
	v33 =	vbroadcast v37, $0x0  }
0x139: {  	[tilespmem:v34+s21+$0x0] =	vst.idx.msk $0xffff, v36  }
0x13a: {  	v34 =	vld [tilespmem:s15+$0xFFFFFFC0];
	v35 =	vadd.s32 v21, v33  }
0x13b: {  	s12 =	sadd.s32 $0x3, s1;
	v33 =	vadd.s32 v22, v33;
	v36 =	vld [tilespmem:s15+$0xFFFFFFD0]  }
0x13c: {  	v37 =	vmov s12  }
0x13d: {  	v37 =	vshrl.u32 v37, $0x3  }
0x13e: {  	v37 =	vshll.u32 v37, v16  }
0x13f: {  	[tilespmem:v35+s21+$0x0] =	vst.idx.msk $0xffff, v34;
	v34 =	vbroadcast v37, $0x0  }
0x140: {  	[tilespmem:v33+s21+$0x0] =	vst.idx.msk $0xffff, v36  }
0x141: {  	v33 =	vld [tilespmem:s15+$0xFFFFFFE0];
	v35 =	vadd.s32 v23, v34  }
0x142: {  	s12 =	sadd.s32 $0x4, s1;
	v34 =	vadd.s32 v24, v34;
	v36 =	vld [tilespmem:s15+$0xFFFFFFF0]  }
0x143: {  	v37 =	vmov s12  }
0x144: {  	v37 =	vshrl.u32 v37, $0x3  }
0x145: {  	v37 =	vshll.u32 v37, v16  }
0x146: {  	[tilespmem:v35+s21+$0x0] =	vst.idx.msk $0xffff, v33;
	v33 =	vbroadcast v37, $0x0  }
0x147: {  	[tilespmem:v34+s21+$0x0] =	vst.idx.msk $0xffff, v36  }
0x148: {  	v34 =	vld [tilespmem:s15+$0x0];
	v35 =	vadd.s32 v25, v33  }
0x149: {  	s12 =	sadd.s32 $0x5, s1;
	v33 =	vadd.s32 v26, v33;
	v36 =	vld [tilespmem:s15+$0x10]  }
0x14a: {  	v37 =	vmov s12  }
0x14b: {  	v37 =	vshrl.u32 v37, $0x3  }
0x14c: {  	v37 =	vshll.u32 v37, v16  }
0x14d: {  	[tilespmem:v35+s21+$0x0] =	vst.idx.msk $0xffff, v34;
	v34 =	vbroadcast v37, $0x0  }
0x14e: {  	[tilespmem:v33+s21+$0x0] =	vst.idx.msk $0xffff, v36  }
0x14f: {  	v33 =	vld [tilespmem:s15+$0x20];
	v35 =	vadd.s32 v27, v34  }
0x150: {  	s12 =	sadd.s32 $0x6, s1;
	v34 =	vadd.s32 v28, v34;
	v36 =	vld [tilespmem:s15+$0x30]  }
0x151: {  	v37 =	vmov s12  }
0x152: {  	v37 =	vshrl.u32 v37, $0x3  }
0x153: {  	v37 =	vshll.u32 v37, v16  }
0x154: {  	[tilespmem:v35+s21+$0x0] =	vst.idx.msk $0xffff, v33;
	v33 =	vbroadcast v37, $0x0  }
0x155: {  	[tilespmem:v34+s21+$0x0] =	vst.idx.msk $0xffff, v36  }
0x156: {  	v34 =	vld [tilespmem:s15+$0x40];
	v35 =	vadd.s32 v29, v33  }
0x157: {  	s12 =	sadd.s32 $0x7, s1;
	s1 =	smov.u32 s7;
	v33 =	vadd.s32 v30, v33;
	v36 =	vld [tilespmem:s15+$0x50]  }
0x158: {  	v37 =	vmov s12  }
0x159: {  	v37 =	vshrl.u32 v37, $0x3  }
0x15a: {  	v37 =	vshll.u32 v37, v16  }
0x15b: {  	[tilespmem:v35+s21+$0x0] =	vst.idx.msk $0xffff, v34;
	v35 =	vbroadcast v37, $0x0  }
0x15c: {  	[tilespmem:v33+s21+$0x0] =	vst.idx.msk $0xffff, v36  }
0x15d: {  	v36 =	vld [tilespmem:s15+$0x60];
	v37 =	vadd.s32 v31, v35  }
.Ltmp5:
0x15e: {  	v35 =	vadd.s32 v32, v35;
	v34 =	vld [tilespmem:s15+$0x70];
	(pc) =	sbr.rel @p0 .LBB2_13-.Ltmp5, $4  }
0x15f: {  	v33 =	vmov s1  }
0x160: {  	v33 =	vshrl.u32 v33, $0x3  }
0x161: {  	v33 =	vshll.u32 v33, v16  }
0x162: {  	v33 =	vbroadcast v33, $0x0;
	[tilespmem:v37+s21+$0x0] =	vst.idx.msk $0xffff, v36  }
0x163: {  	_ =	sdelay $0x3  }
0x164: {  	[tilespmem:v35+s21+$0x0] =	vst.idx.msk $0xffff, v34;
	s0 =	sadd.s32 $0x100, s15  }
0x165: {  	v34 =	vld [tilespmem:s0+$0xFFFFFF80];
	v18 =	vadd.s32 v18, v33  }
0x166: {  	s7 =	sadd.s32 $0x1, s1;
	v35 =	vld [tilespmem:s0+$0xFFFFFF90];
	v17 =	vadd.s32 v17, v33  }
0x167: {  	v55 =	vmov s7  }
0x168: {  	v33 =	vshrl.u32 v55, $0x3  }
0x169: {  	v33 =	vshll.u32 v33, v16  }
0x16a: {  	[tilespmem:v18+s21+$0x0] =	vst.idx.msk $0xffff, v34;
	v18 =	vbroadcast v33, $0x0  }
0x16b: {  	[tilespmem:v17+s21+$0x0] =	vst.idx.msk $0xffff, v35  }
0x16c: {  	v17 =	vld [tilespmem:s0+$0xFFFFFFA0];
	v19 =	vadd.s32 v19, v18  }
0x16d: {  	s12 =	sadd.s32 $0x2, s1;
	v56 =	vld [tilespmem:s0+$0xFFFFFFB0];
	v18 =	vadd.s32 v20, v18  }
0x16e: {  	v57 =	vmov s12  }
0x16f: {  	v20 =	vshrl.u32 v57, $0x3  }
0x170: {  	v20 =	vshll.u32 v20, v16  }
0x171: {  	[tilespmem:v19+s21+$0x0] =	vst.idx.msk $0xffff, v17;
	v17 =	vbroadcast v20, $0x0  }
0x172: {  	[tilespmem:v18+s21+$0x0] =	vst.idx.msk $0xffff, v56  }
0x173: {  	v18 =	vld [tilespmem:s0+$0xFFFFFFC0];
	v19 =	vadd.s32 v21, v17  }
0x174: {  	s15 =	sadd.s32 $0x3, s1;
	v58 =	vld [tilespmem:s0+$0xFFFFFFD0];
	v17 =	vadd.s32 v22, v17  }
0x175: {  	v59 =	vmov s15  }
0x176: {  	v21 =	vshrl.u32 v59, $0x3  }
0x177: {  	v21 =	vshll.u32 v21, v16  }
0x178: {  	[tilespmem:v19+s21+$0x0] =	vst.idx.msk $0xffff, v18;
	v18 =	vbroadcast v21, $0x0  }
0x179: {  	[tilespmem:v17+s21+$0x0] =	vst.idx.msk $0xffff, v58  }
0x17a: {  	v17 =	vld [tilespmem:s0+$0xFFFFFFE0];
	v19 =	vadd.s32 v23, v18  }
0x17b: {  	s31 =	sadd.s32 $0x4, s1;
	v20 =	vld [tilespmem:s0+$0xFFFFFFF0];
	v18 =	vadd.s32 v24, v18  }
0x17c: {  	v60 =	vmov s31  }
0x17d: {  	v21 =	vshrl.u32 v60, $0x3  }
0x17e: {  	v21 =	vshll.u32 v21, v16  }
0x17f: {  	[tilespmem:v19+s21+$0x0] =	vst.idx.msk $0xffff, v17;
	v17 =	vbroadcast v21, $0x0  }
0x180: {  	[tilespmem:v18+s21+$0x0] =	vst.idx.msk $0xffff, v20  }
0x181: {  	v18 =	vld [tilespmem:s0+$0x0];
	v19 =	vadd.s32 v25, v17  }
0x182: {  	s12 =	sadd.s32 $0x5, s1;
	v20 =	vld [tilespmem:s0+$0x10];
	v17 =	vadd.s32 v26, v17  }
0x183: {  	v61 =	vmov s12  }
0x184: {  	v21 =	vshrl.u32 v61, $0x3  }
0x185: {  	v21 =	vshll.u32 v21, v16  }
0x186: {  	[tilespmem:v19+s21+$0x0] =	vst.idx.msk $0xffff, v18;
	v18 =	vbroadcast v21, $0x0  }
0x187: {  	[tilespmem:v17+s21+$0x0] =	vst.idx.msk $0xffff, v20  }
0x188: {  	v17 =	vld [tilespmem:s0+$0x20];
	v19 =	vadd.s32 v27, v18  }
0x189: {  	s15 =	sadd.s32 $0x6, s1;
	v20 =	vld [tilespmem:s0+$0x30];
	v18 =	vadd.s32 v28, v18  }
0x18a: {  	v62 =	vmov s15  }
0x18b: {  	v21 =	vshrl.u32 v62, $0x3  }
0x18c: {  	v21 =	vshll.u32 v21, v16  }
0x18d: {  	[tilespmem:v19+s21+$0x0] =	vst.idx.msk $0xffff, v17;
	v17 =	vbroadcast v21, $0x0  }
0x18e: {  	[tilespmem:v18+s21+$0x0] =	vst.idx.msk $0xffff, v20  }
0x18f: {  	v18 =	vld [tilespmem:s0+$0x40];
	v19 =	vadd.s32 v29, v17  }
0x190: {  	s31 =	sadd.s32 $0x7, s1;
	v20 =	vld [tilespmem:s0+$0x50];
	v17 =	vadd.s32 v30, v17  }
0x191: {  	v63 =	vmov s31  }
0x192: {  	v21 =	vshrl.u32 v63, $0x3  }
0x193: {  	v21 =	vshll.u32 v21, v16  }
0x194: {  	[tilespmem:v19+s21+$0x0] =	vst.idx.msk $0xffff, v18;
	v18 =	vbroadcast v21, $0x0  }
0x195: {  	[tilespmem:v17+s21+$0x0] =	vst.idx.msk $0xffff, v20  }
0x196: {  	s30 =	sadd.s32 $0x1, s30;
	v17 =	vld [tilespmem:s0+$0x60];
	v19 =	vadd.s32 v31, v18  }
0x197: {  	p0 =	sne.s32 s30, $0x4;
	v20 =	vld [tilespmem:s0+$0x70];
	v18 =	vadd.s32 v32, v18  }
.Ltmp6:
0x198: {  	_ = 	snop;
	(pc) =	sbr.rel @p0 .LBB2_12-.Ltmp6, $3  }
0x199: {  	_ =	sdelay $0x1  }
0x19a: {  	[tilespmem:v19+s21+$0x0] =	vst.idx.msk $0xffff, v17  }
0x19b: {  	s29 =	sadd.s32 $0x1000, s29;
	[tilespmem:v18+s21+$0x0] =	vst.idx.msk $0xffff, v20  }
0x19c: {  	s0 =	sadd.s32 s28, s11;
	s1 =	simm.s32 $0xC800  }
0x19d: {  	s7 =	simm.s32 $0x200;
	s15 =	simm.s32 $0xC888;
	s26 =	sadd.s32 $0x0, s0  }
.LBB2_16:
0x19e: {  	[hbm4b:s26+s3] =	stream.linear.scatter [tilespmem:s1], [sflag:$0x6], $0x80, $0x38;
	[tilespmem:$0x10C00] =	vst v63  }
0x19f: {  	s12 =	smov.u32 s7;
	s1 =	smov.u32 s15;
	p0 =	sne.s32 s7, $0xFE00  }
.Ltmp7:
0x1a0: {  	s7 =	sadd.s32 $0x200, s7;
	(pc) =	sbr.rel @p0 .LBB2_16-.Ltmp7, $2  }
0x1a1: {  	_ =	sdelay $0x2  }
0x1a2: {  	s15 =	sadd.s32 $0x88, s15;
	s26 =	sadd.s32 s12, s0  }
0x1a3: {  	s25 =	sadd.s32 $0x1, s25  }
0x1a4: {  	p0 =	sne.s32 s25, $0x19  }
.Ltmp8:
0x1a5: {  	_ = 	snop;
	(pc) =	sbr.rel @p0 .LBB2_2-.Ltmp8, $2  }
0x1a6: {  	_ =	sdelay $0x2  }
0x1a7: {  	[hbm4b:s26+s3] =	stream.linear.scatter [tilespmem:s1], [sflag:$0x6], $0x80, $0x38;
	[tilespmem:$0x10C00] =	vst v63  }
0x1a8: {  	_ =	swait.ge [sflag:s22], $0x4000  }
0x1a9: {  	[sflag:s22] =	ssyncset.done $0x0  }
0x1aa: {  	[sflag:s22] =	ssyncadd.s32 $0xFFFFC000  }
0x1ab: {  	_ =	swait.ge [sflag:s23], $0x4000  }
0x1ac: {  	s24 =	sadd.s32 $0x1, s24;
	s0 =	rddreg [dreg:$0x4]  }
0x1ad: {  	p0 =	sne.s32 s24, s0  }
.Ltmp9:
0x1ae: {  	_ = 	snop;
	(pc) =	sbr.rel @p0 .LBB2_1-.Ltmp9, $3  }
0x1af: {  	_ =	sdelay $0x1  }
0x1b0: {  	[sflag:s23] =	ssyncset.done $0x0  }
0x1b1: {  	[sflag:s23] =	ssyncadd.s32 $0xFFFFC000  }
0x1b2: {  	_ =	sfence.sel $0x180000  }
0x1b3: {  	[bflag:$0x0] =	sbarrier.arrive $0xFFFF  }
0x1b4: {  	_ =	strace $0x90000047  }
0x1b5: {  	s0 =	stileid.u32;
	[bflag:$0x2] =	sbarrier.arrive $0xFFFF  }
0x1b6: {  	p0 =	sne.s32 s0, $0x0;
	s0 =	rddreg [dreg:$0x2]  }
0x1b7: {  	s0 =	sadd.s32 @!p0 $0x100000, s0  }
0x1b8: {  	[sflag:s0] =	ssyncadd.tile.s32 @!p0 $0x1;
	_ =	shalt  }
.Lfunc_end2:
_tile_overlayer_lowered:
.L_overlay_start_2:
0x1b9: {  	(tag) =	ssettag $0x2  }
0x1ba: {  	s0 =	rddreg [dreg:$0x0];
	s2 =	stileid.u32  }
0x1bb: {  	s1 =	rddreg [dreg:$0x1];
	p0 =	sne.s32 s2, $0x0  }
0x1bc: {  	s3 =	rddreg [dreg:$0x2];
	[bflag:$0x3] =	sbarrier.arrive $0xFFFF;
	s2 =	simm.s32 @!p0 $0x1C07  }
0x1bd: {  	[timem:s3], [sflag:s2] =	dma.local @!p0 [hbm:s0], s1  }
0x1be: {  	s0 =	simm.s32 @!p0 $0x7  }
0x1bf: {  	_ =	swait.ge @!p0 [sflag:s0], s1  }
0x1c0: {  	s1 =	ssub.s32 @!p0 $0x0, s1;
	[sflag:s0] =	ssyncset.done @!p0 $0x0  }
0x1c1: {  	[sflag:s0] =	ssyncadd.s32 @!p0 s1  }
0x1c2: {  	[bflag:$0x3] =	sbarrier.arrive $0xFFFF  }
0x1c3: {  	_ =	shalt  }

</sc_bundles>
